<compile_context>
chip_gen: v7x
topology: tpu7x:2x2x1
jax: 0.10.2.dev20260603
libtpu: 0.0.44.dev20260713+nightly
codegen_flags: <defaults>
</compile_context>

<pallas_src>
import functools

import jax
import jax.numpy as jnp
from jax import lax
from jax.experimental import pallas as pl
from jax.experimental.pallas import tpu as pltpu
from jax.experimental.pallas import tpu_sc as plsc

B, L = 1024, 200
NUM_WORDS = 1000000
EMB, HID, NCLASS = 16, 16, 8
NLAYERS = 2
DB = 8
NBLK = B // DB

N_TOK = B * L
CHUNK = 128
NW = 32
CHUNKS_PER_W = N_TOK // (NW * CHUNK)
TOK_PER_W = N_TOK // NW


def _sc_gather_body(table_hbm, idx_hbm, out_hbm, idx_v, rows_v, sem):
    wid = lax.axis_index("s") * 2 + lax.axis_index("c")
    base = wid * TOK_PER_W
    pltpu.sync_copy(idx_hbm.at[pl.ds(base, TOK_PER_W)], idx_v)
    descs = []
    for j in range(CHUNKS_PER_W):
        descs.append(
            pltpu.async_copy(
                table_hbm.at[idx_v.at[pl.ds(j * CHUNK, CHUNK)]],
                rows_v.at[pl.ds(j * CHUNK, CHUNK)],
                sem,
            )
        )
    for d in descs:
        d.wait()
    pltpu.sync_copy(rows_v, out_hbm.at[pl.ds(base, TOK_PER_W)])


def _sc_gather(table, idx1d):
    mesh = plsc.VectorSubcoreMesh(core_axis_name="c", subcore_axis_name="s")
    fn = functools.partial(
        pl.kernel,
        out_type=jax.ShapeDtypeStruct((N_TOK, EMB), jnp.float32),
        mesh=mesh,
        scratch_types=[
            pltpu.VMEM((TOK_PER_W,), jnp.int32),
            pltpu.VMEM((TOK_PER_W, EMB), jnp.float32),
            pltpu.SemaphoreType.DMA,
        ],
        compiler_params=pltpu.CompilerParams(use_tc_tiling_on_sc=False),
    )(_sc_gather_body)
    return fn(table, idx1d)




def _tc_body(x_ref, paris_ref, Wenc_ref, Wz0_ref, Wz1_ref, Wr0_ref,
             Wr1_ref, Wh0_ref, Wh1_ref, Watt_ref, Wemb_ref, Wmlp_ref,
             out_ref):
    f32 = jnp.float32
    x = x_ref[...]
    lane = lax.broadcasted_iota(jnp.int32, (L, 128), 1)
    grp = lane // HID

    def mm(a, w):
        return jnp.dot(a, w, preferred_element_type=f32)

    for k in range(NLAYERS):
        h = jax.nn.relu(mm(x, Wenc_ref[k]))
        a = jnp.zeros((L, 128), f32)
        for d in range(DB):
            a = jnp.where(grp == d, mm(paris_ref[d], h), a)
        z = jax.nn.sigmoid(mm(a, Wz0_ref[k]) + mm(h, Wz1_ref[k]))
        r = jax.nn.sigmoid(mm(a, Wr0_ref[k]) + mm(h, Wr1_ref[k]))
        hh = jnp.tanh(mm(a, Wh0_ref[k]) + mm(r * h, Wh1_ref[k]))
        x = hh * z + h * (1.0 - z)

    att = jax.nn.sigmoid(mm(x, Watt_ref[...]))
    emb = jnp.tanh(mm(x, Wemb_ref[...]))
    g = att * emb
    gout = (jnp.sum(g, axis=0, keepdims=True) * (1.0 / L)
            + jnp.max(g, axis=0, keepdims=True))
    out_ref[...] = mm(gout, Wmlp_ref[...]).reshape(1, 1, DB * NCLASS)


def _tc_forward(xp, paris, Wencp, Wz0p, Wz1p, Wr0p, Wr1p, Wh0p, Wh1p,
                Wattp, Wembp, Wmlpp):
    full = lambda shape: pl.BlockSpec(shape, lambda i: tuple(0 for _ in shape))
    w3 = full((NLAYERS, 128, 128))
    in_specs = [
        pl.BlockSpec((L, 128), lambda i: (i, 0)),
        pl.BlockSpec((DB, L, L), lambda i: (i, 0, 0)),
        w3, w3, w3, w3, w3, w3, w3,
        full((128, 128)), full((128, 128)), full((128, DB * NCLASS)),
    ]
    return pl.pallas_call(
        _tc_body,
        grid=(NBLK,),
        in_specs=in_specs,
        out_specs=pl.BlockSpec((1, 1, DB * NCLASS), lambda i: (i, 0, 0)),
        out_shape=jax.ShapeDtypeStruct((NBLK, 1, DB * NCLASS), jnp.float32),
        compiler_params=pltpu.CompilerParams(
            dimension_semantics=("arbitrary",),
        ),
    )(xp, paris, Wencp, Wz0p, Wz1p, Wr0p, Wr1p, Wh0p, Wh1p,
      Wattp, Wembp, Wmlpp)


def kernel(words2ids, i_mask, paris_mat, w_embedding, Wenc, benc, Wz0, bz0,
           Wz1, bz1, Wr0, br0, Wr1, br1, Wh0, bh0, Wh1, bh1, Watt, batt,
           Wemb, bemb, Wmlp, bmlp):
    idx_perm = (words2ids.astype(jnp.int32)
                .reshape(NBLK, DB, L).transpose(0, 2, 1).reshape(N_TOK))
    x2d = _sc_gather(w_embedding, idx_perm)
    xp = x2d.reshape(NBLK * L, 128)

    eye8 = jnp.eye(DB, dtype=jnp.float32)
    bd = lambda w: jnp.kron(eye8, w)
    bd2 = jax.vmap(bd)
    Wattp = bd(Watt @ jnp.ones((1, HID), jnp.float32))
    out = _tc_forward(xp, paris_mat, bd2(Wenc), bd2(Wz0), bd2(Wz1),
                      bd2(Wr0), bd2(Wr1), bd2(Wh0), bd2(Wh1),
                      Wattp, bd(Wemb), bd(Wmlp))
    return out.reshape(B, NCLASS)

# --- scband reference (transcript-rebuilt; emitter-appended) ---
"""Pipeline reference for scband-text-ing-84911503442730 (READ-ONLY COPY).

The authoritative reference and input builder live on the scoring server;
editing this copy changes nothing except your own understanding.
"""

import jax, jax.numpy as jnp
import numpy as np

B, L = 1024, 200
NUM_WORDS, EMB, HID = 1000000, 16, 16
NLAYERS, NCLASS = 2, 8


def setup_inputs(seed: int = 0) -> dict:
    key = jax.random.key(seed)
    ks = jax.random.split(key, 16)
    inp = {}
    inp['words2ids'] = jax.random.randint(ks[0], (B, L), 0, NUM_WORDS)
    inp['i_mask'] = jnp.ones((B, L), dtype=jnp.float32)
    inp['paris_mat'] = jax.random.uniform(ks[1], (B, L, L), dtype=jnp.float32)
    inp['w_embedding'] = jax.random.normal(ks[2], (NUM_WORDS, EMB), dtype=jnp.float32) * 0.02
    names = ['Wenc', 'Wz0', 'Wz1', 'Wr0', 'Wr1', 'Wh0', 'Wh1']
    for i, n in enumerate(names):
        inp[n] = jax.random.normal(ks[3 + i], (NLAYERS, HID, HID), dtype=jnp.float32) / np.sqrt(HID)
        inp['b' + n[1:]] = jnp.zeros((NLAYERS, HID), dtype=jnp.float32)
    inp['Watt'] = jax.random.normal(ks[10], (HID, 1), dtype=jnp.float32) / np.sqrt(HID)
    inp['batt'] = jnp.zeros((1,), dtype=jnp.float32)
    inp['Wemb'] = jax.random.normal(ks[11], (HID, HID), dtype=jnp.float32) / np.sqrt(HID)
    inp['bemb'] = jnp.zeros((HID,), dtype=jnp.float32)
    inp['Wmlp'] = jax.random.normal(ks[12], (HID, NCLASS), dtype=jnp.float32) / np.sqrt(HID)
    inp['bmlp'] = jnp.zeros((NCLASS,), dtype=jnp.float32)
    return inp


def _forward(words2ids, i_mask, paris_mat, w_embedding, Wenc, benc, Wz0, bz0, Wz1, bz1, Wr0, br0, Wr1, br1, Wh0, bh0, Wh1, bh1, Watt, batt, Wemb, bemb, Wmlp, bmlp):
    # embedding lookup (gather)
    x = jnp.take(w_embedding, words2ids, axis=0)  # [B, L, EMB]
    mask3 = i_mask[..., None]
    for k in range(NLAYERS):
        # t_mask = i_mask.float().unsqueeze(-1).repeat(1, 1, dim)
        m = jnp.repeat(mask3, x.shape[-1], axis=-1)
        # GraphGNN: encode + one GGNN (GRU-gated) propagation step over dense adj
        h = m * jax.nn.relu(x @ Wenc[k] + benc[k])
        a = jnp.matmul(paris_mat, h)  # message passing: adj @ h
        z = jax.nn.sigmoid(a @ Wz0[k] + bz0[k] + h @ Wz1[k] + bz1[k])
        r = jax.nn.sigmoid(a @ Wr0[k] + br0[k] + h @ Wr1[k] + br1[k])
        hh = jnp.tanh(a @ Wh0[k] + bh0[k] + (r * h) @ Wh1[k] + bh1[k]) * m
        x = hh * z + h * (1.0 - z)
    # ReadoutLayer: soft attention + mean/max pooling + mlp (dropout=0, eval)
    att = jax.nn.sigmoid(x @ Watt + batt)  # [B, L, 1]
    emb = jnp.tanh(x @ Wemb + bemb)        # [B, L, HID]
    Nn = jnp.sum(i_mask, axis=1, keepdims=True)  # [B, 1]
    M = (i_mask - 1.0) * 1e9                      # [B, L]
    g = mask3 * att * emb
    g = jnp.sum(g, axis=1) / Nn + jnp.max(g + M[..., None], axis=1)
    logits = g @ Wmlp + bmlp
    return logits


def reference(words2ids, i_mask, paris_mat, w_embedding, Wenc, benc, Wz0, bz0, Wz1, bz1, Wr0, br0, Wr1, br1, Wh0, bh0, Wh1, bh1, Watt, batt, Wemb, bemb, Wmlp, bmlp):
    return _forward(words2ids=words2ids, i_mask=i_mask, paris_mat=paris_mat, w_embedding=w_embedding, Wenc=Wenc, benc=benc, Wz0=Wz0, bz0=bz0, Wz1=Wz1, bz1=bz1, Wr0=Wr0, br0=br0, Wr1=Wr1, br1=br1, Wh0=Wh0, bh0=bh0, Wh1=Wh1, bh1=bh1, Watt=Watt, batt=batt, Wemb=Wemb, bemb=bemb, Wmlp=Wmlp, bmlp=bmlp)

if __name__ == "__main__":
    import jax
    _d = setup_inputs()
    print(jax.jit(kernel)(*tuple(_d.values())))

</pallas_src>

<mosaic_0001>
#map = affine_map<(d0, d1) -> (0, 0)>
#map1 = affine_map<(d0, d1) -> (0)>
module attributes {stable_mosaic.version = 14 : i64} {
  func.func @_sc_gather_body(%arg0: i32, %arg1: i32, %arg2: memref<1000000x16xf32, #tpu.memory_space<hbm>>, %arg3: memref<204800xi32, #tpu.memory_space<hbm>>, %arg4: memref<204800x16xf32, #tpu.memory_space<hbm>>, %arg5: memref<6400xi32, #tpu.memory_space<vmem>>, %arg6: memref<6400x16xf32, #tpu.memory_space<vmem>>, %arg7: memref<!tpu.dma_semaphore, #tpu.memory_space<semaphore_mem>>) attributes {dimension_semantics = [#tpu.dimension_semantics<core_parallel>, #tpu.dimension_semantics<subcore_parallel>], iteration_bounds = array<i64: 2, 16>, scalar_prefetch = 0 : i64, scratch_operands = 3 : i64, tpu.core_type = #tpu.core_type<sc_vector_subcore>, window_params = [{transform_indices = #map}, {transform_indices = #map1}, {transform_indices = #map}]} {
    %mul3A = arith.constant 2 : i32
    %mul3A_0 = arith.muli %arg1, %mul3A : i32
    %add3A = arith.addi %mul3A_0, %arg0 : i32
    %mul3A_1 = arith.constant 6400 : i32
    %mul3A_2 = arith.muli %add3A, %mul3A_1 : i32
    "tpu.region"() ({
      %run_scoped3A = tpu.sem_alloc : memref<!tpu.dma_semaphore, #tpu.memory_space<semaphore_mem>>
      %dma_start3A_801 = tpu.memref_slice %arg3[%mul3A_2] : memref<204800xi32, #tpu.memory_space<hbm>> -> memref<6400xi32, #tpu.memory_space<hbm>>
      %dma_start3A_802 = tpu.memref_slice %arg3[%mul3A_2] : memref<204800xi32, #tpu.memory_space<hbm>> -> memref<6400xi32, #tpu.memory_space<hbm>>
      tpu.enqueue_dma source(%dma_start3A_802 : memref<6400xi32, #tpu.memory_space<hbm>>) target(%arg5 : memref<6400xi32, #tpu.memory_space<vmem>>) target_semaphore(%run_scoped3A : memref<!tpu.dma_semaphore, #tpu.memory_space<semaphore_mem>>)
      %dma_wait3A_803 = tpu.memref_slice %arg3[%mul3A_2] : memref<204800xi32, #tpu.memory_space<hbm>> -> memref<6400xi32, #tpu.memory_space<hbm>>
      %dma_wait3A_804 = tpu.memref_slice %arg3[%mul3A_2] : memref<204800xi32, #tpu.memory_space<hbm>> -> memref<6400xi32, #tpu.memory_space<hbm>>
      tpu.wait_dma2 semaphore(%run_scoped3A : memref<!tpu.dma_semaphore, #tpu.memory_space<semaphore_mem>>) src(%dma_wait3A_804 : memref<6400xi32, #tpu.memory_space<hbm>>) dst(%arg5 : memref<6400xi32, #tpu.memory_space<vmem>>)
      tpu.yield
    }) : () -> ()
    %dma_start3A = arith.constant 0 : i32
    %dma_start3A_3 = arith.constant 0 : i32
    %dma_start3A_4 = tpu.memref_slice %arg6[%dma_start3A, %dma_start3A_3] : memref<6400x16xf32, #tpu.memory_space<vmem>> -> memref<128x16xf32, #tpu.memory_space<vmem>>
    %dma_start3A_5 = arith.constant 0 : i32
    %dma_start3A_6 = tpu.memref_slice %arg5[%dma_start3A_5] : memref<6400xi32, #tpu.memory_space<vmem>> -> memref<128xi32, #tpu.memory_space<vmem>>
    %dma_start3A_7 = arith.constant 0 : i32
    %dma_start3A_8 = arith.constant 0 : i32
    %dma_start3A_9 = tpu.memref_slice %arg2[%dma_start3A_7, %dma_start3A_8] : memref<1000000x16xf32, #tpu.memory_space<hbm>> -> memref<1000000x16xf32, #tpu.memory_space<hbm>>
    tpu.enqueue_indirect_dma source(%dma_start3A_9 : memref<1000000x16xf32, #tpu.memory_space<hbm>>) target(%dma_start3A_4 : memref<128x16xf32, #tpu.memory_space<vmem>>) offsets(%dma_start3A_6 : memref<128xi32, #tpu.memory_space<vmem>>) semaphore(%arg7 : memref<!tpu.dma_semaphore, #tpu.memory_space<semaphore_mem>>)
    %dma_start3A_10 = arith.constant 128 : i32
    %dma_start3A_11 = arith.constant 0 : i32
    %dma_start3A_12 = tpu.memref_slice %arg6[%dma_start3A_10, %dma_start3A_11] : memref<6400x16xf32, #tpu.memory_space<vmem>> -> memref<128x16xf32, #tpu.memory_space<vmem>>
    %dma_start3A_13 = arith.constant 128 : i32
    %dma_start3A_14 = tpu.memref_slice %arg5[%dma_start3A_13] : memref<6400xi32, #tpu.memory_space<vmem>> -> memref<128xi32, #tpu.memory_space<vmem>>
    %dma_start3A_15 = arith.constant 0 : i32
    %dma_start3A_16 = arith.constant 0 : i32
    %dma_start3A_17 = tpu.memref_slice %arg2[%dma_start3A_15, %dma_start3A_16] : memref<1000000x16xf32, #tpu.memory_space<hbm>> -> memref<1000000x16xf32, #tpu.memory_space<hbm>>
    tpu.enqueue_indirect_dma source(%dma_start3A_17 : memref<1000000x16xf32, #tpu.memory_space<hbm>>) target(%dma_start3A_12 : memref<128x16xf32, #tpu.memory_space<vmem>>) offsets(%dma_start3A_14 : memref<128xi32, #tpu.memory_space<vmem>>) semaphore(%arg7 : memref<!tpu.dma_semaphore, #tpu.memory_space<semaphore_mem>>)
    %dma_start3A_18 = arith.constant 256 : i32
    %dma_start3A_19 = arith.constant 0 : i32
    %dma_start3A_20 = tpu.memref_slice %arg6[%dma_start3A_18, %dma_start3A_19] : memref<6400x16xf32, #tpu.memory_space<vmem>> -> memref<128x16xf32, #tpu.memory_space<vmem>>
    %dma_start3A_21 = arith.constant 256 : i32
    %dma_start3A_22 = tpu.memref_slice %arg5[%dma_start3A_21] : memref<6400xi32, #tpu.memory_space<vmem>> -> memref<128xi32, #tpu.memory_space<vmem>>
    %dma_start3A_23 = arith.constant 0 : i32
    %dma_start3A_24 = arith.constant 0 : i32
    %dma_start3A_25 = tpu.memref_slice %arg2[%dma_start3A_23, %dma_start3A_24] : memref<1000000x16xf32, #tpu.memory_space<hbm>> -> memref<1000000x16xf32, #tpu.memory_space<hbm>>
    tpu.enqueue_indirect_dma source(%dma_start3A_25 : memref<1000000x16xf32, #tpu.memory_space<hbm>>) target(%dma_start3A_20 : memref<128x16xf32, #tpu.memory_space<vmem>>) offsets(%dma_start3A_22 : memref<128xi32, #tpu.memory_space<vmem>>) semaphore(%arg7 : memref<!tpu.dma_semaphore, #tpu.memory_space<semaphore_mem>>)
    %dma_start3A_26 = arith.constant 384 : i32
    %dma_start3A_27 = arith.constant 0 : i32
    %dma_start3A_28 = tpu.memref_slice %arg6[%dma_start3A_26, %dma_start3A_27] : memref<6400x16xf32, #tpu.memory_space<vmem>> -> memref<128x16xf32, #tpu.memory_space<vmem>>
    %dma_start3A_29 = arith.constant 384 : i32
    %dma_start3A_30 = tpu.memref_slice %arg5[%dma_start3A_29] : memref<6400xi32, #tpu.memory_space<vmem>> -> memref<128xi32, #tpu.memory_space<vmem>>
    %dma_start3A_31 = arith.constant 0 : i32
    %dma_start3A_32 = arith.constant 0 : i32
    %dma_start3A_33 = tpu.memref_slice %arg2[%dma_start3A_31, %dma_start3A_32] : memref<1000000x16xf32, #tpu.memory_space<hbm>> -> memref<1000000x16xf32, #tpu.memory_space<hbm>>
    tpu.enqueue_indirect_dma source(%dma_start3A_33 : memref<1000000x16xf32, #tpu.memory_space<hbm>>) target(%dma_start3A_28 : memref<128x16xf32, #tpu.memory_space<vmem>>) offsets(%dma_start3A_30 : memref<128xi32, #tpu.memory_space<vmem>>) semaphore(%arg7 : memref<!tpu.dma_semaphore, #tpu.memory_space<semaphore_mem>>)
    %dma_start3A_34 = arith.constant 512 : i32
    %dma_start3A_35 = arith.constant 0 : i32
    %dma_start3A_36 = tpu.memref_slice %arg6[%dma_start3A_34, %dma_start3A_35] : memref<6400x16xf32, #tpu.memory_space<vmem>> -> memref<128x16xf32, #tpu.memory_space<vmem>>
    %dma_start3A_37 = arith.constant 512 : i32
    %dma_start3A_38 = tpu.memref_slice %arg5[%dma_start3A_37] : memref<6400xi32, #tpu.memory_space<vmem>> -> memref<128xi32, #tpu.memory_space<vmem>>
    %dma_start3A_39 = arith.constant 0 : i32
    %dma_start3A_40 = arith.constant 0 : i32
    %dma_start3A_41 = tpu.memref_slice %arg2[%dma_start3A_39, %dma_start3A_40] : memref<1000000x16xf32, #tpu.memory_space<hbm>> -> memref<1000000x16xf32, #tpu.memory_space<hbm>>
    tpu.enqueue_indirect_dma source(%dma_start3A_41 : memref<1000000x16xf32, #tpu.memory_space<hbm>>) target(%dma_start3A_36 : memref<128x16xf32, #tpu.memory_space<vmem>>) offsets(%dma_start3A_38 : memref<128xi32, #tpu.memory_space<vmem>>) semaphore(%arg7 : memref<!tpu.dma_semaphore, #tpu.memory_space<semaphore_mem>>)
    %dma_start3A_42 = arith.constant 640 : i32
    %dma_start3A_43 = arith.constant 0 : i32
    %dma_start3A_44 = tpu.memref_slice %arg6[%dma_start3A_42, %dma_start3A_43] : memref<6400x16xf32, #tpu.memory_space<vmem>> -> memref<128x16xf32, #tpu.memory_space<vmem>>
    %dma_start3A_45 = arith.constant 640 : i32
    %dma_start3A_46 = tpu.memref_slice %arg5[%dma_start3A_45] : memref<6400xi32, #tpu.memory_space<vmem>> -> memref<128xi32, #tpu.memory_space<vmem>>
    %dma_start3A_47 = arith.constant 0 : i32
    %dma_start3A_48 = arith.constant 0 : i32
    %dma_start3A_49 = tpu.memref_slice %arg2[%dma_start3A_47, %dma_start3A_48] : memref<1000000x16xf32, #tpu.memory_space<hbm>> -> memref<1000000x16xf32, #tpu.memory_space<hbm>>
    tpu.enqueue_indirect_dma source(%dma_start3A_49 : memref<1000000x16xf32, #tpu.memory_space<hbm>>) target(%dma_start3A_44 : memref<128x16xf32, #tpu.memory_space<vmem>>) offsets(%dma_start3A_46 : memref<128xi32, #tpu.memory_space<vmem>>) semaphore(%arg7 : memref<!tpu.dma_semaphore, #tpu.memory_space<semaphore_mem>>)
    %dma_start3A_50 = arith.constant 768 : i32
    %dma_start3A_51 = arith.constant 0 : i32
    %dma_start3A_52 = tpu.memref_slice %arg6[%dma_start3A_50, %dma_start3A_51] : memref<6400x16xf32, #tpu.memory_space<vmem>> -> memref<128x16xf32, #tpu.memory_space<vmem>>
    %dma_start3A_53 = arith.constant 768 : i32
    %dma_start3A_54 = tpu.memref_slice %arg5[%dma_start3A_53] : memref<6400xi32, #tpu.memory_space<vmem>> -> memref<128xi32, #tpu.memory_space<vmem>>
    %dma_start3A_55 = arith.constant 0 : i32
    %dma_start3A_56 = arith.constant 0 : i32
    %dma_start3A_57 = tpu.memref_slice %arg2[%dma_start3A_55, %dma_start3A_56] : memref<1000000x16xf32, #tpu.memory_space<hbm>> -> memref<1000000x16xf32, #tpu.memory_space<hbm>>
    tpu.enqueue_indirect_dma source(%dma_start3A_57 : memref<1000000x16xf32, #tpu.memory_space<hbm>>) target(%dma_start3A_52 : memref<128x16xf32, #tpu.memory_space<vmem>>) offsets(%dma_start3A_54 : memref<128xi32, #tpu.memory_space<vmem>>) semaphore(%arg7 : memref<!tpu.dma_semaphore, #tpu.memory_space<semaphore_mem>>)
    %dma_start3A_58 = arith.constant 896 : i32
    %dma_start3A_59 = arith.constant 0 : i32
    %dma_start3A_60 = tpu.memref_slice %arg6[%dma_start3A_58, %dma_start3A_59] : memref<6400x16xf32, #tpu.memory_space<vmem>> -> memref<128x16xf32, #tpu.memory_space<vmem>>
    %dma_start3A_61 = arith.constant 896 : i32
    %dma_start3A_62 = tpu.memref_slice %arg5[%dma_start3A_61] : memref<6400xi32, #tpu.memory_space<vmem>> -> memref<128xi32, #tpu.memory_space<vmem>>
    %dma_start3A_63 = arith.constant 0 : i32
    %dma_start3A_64 = arith.constant 0 : i32
    %dma_start3A_65 = tpu.memref_slice %arg2[%dma_start3A_63, %dma_start3A_64] : memref<1000000x16xf32, #tpu.memory_space<hbm>> -> memref<1000000x16xf32, #tpu.memory_space<hbm>>
    tpu.enqueue_indirect_dma source(%dma_start3A_65 : memref<1000000x16xf32, #tpu.memory_space<hbm>>) target(%dma_start3A_60 : memref<128x16xf32, #tpu.memory_space<vmem>>) offsets(%dma_start3A_62 : memref<128xi32, #tpu.memory_space<vmem>>) semaphore(%arg7 : memref<!tpu.dma_semaphore, #tpu.memory_space<semaphore_mem>>)
    %dma_start3A_66 = arith.constant 1024 : i32
    %dma_start3A_67 = arith.constant 0 : i32
    %dma_start3A_68 = tpu.memref_slice %arg6[%dma_start3A_66, %dma_start3A_67] : memref<6400x16xf32, #tpu.memory_space<vmem>> -> memref<128x16xf32, #tpu.memory_space<vmem>>
    %dma_start3A_69 = arith.constant 1024 : i32
    %dma_start3A_70 = tpu.memref_slice %arg5[%dma_start3A_69] : memref<6400xi32, #tpu.memory_space<vmem>> -> memref<128xi32, #tpu.memory_space<vmem>>
    %dma_start3A_71 = arith.constant 0 : i32
    %dma_start3A_72 = arith.constant 0 : i32
    %dma_start3A_73 = tpu.memref_slice %arg2[%dma_start3A_71, %dma_start3A_72] : memref<1000000x16xf32, #tpu.memory_space<hbm>> -> memref<1000000x16xf32, #tpu.memory_space<hbm>>
    tpu.enqueue_indirect_dma source(%dma_start3A_73 : memref<1000000x16xf32, #tpu.memory_space<hbm>>) target(%dma_start3A_68 : memref<128x16xf32, #tpu.memory_space<vmem>>) offsets(%dma_start3A_70 : memref<128xi32, #tpu.memory_space<vmem>>) semaphore(%arg7 : memref<!tpu.dma_semaphore, #tpu.memory_space<semaphore_mem>>)
    %dma_start3A_74 = arith.constant 1152 : i32
    %dma_start3A_75 = arith.constant 0 : i32
    %dma_start3A_76 = tpu.memref_slice %arg6[%dma_start3A_74, %dma_start3A_75] : memref<6400x16xf32, #tpu.memory_space<vmem>> -> memref<128x16xf32, #tpu.memory_space<vmem>>
    %dma_start3A_77 = arith.constant 1152 : i32
    %dma_start3A_78 = tpu.memref_slice %arg5[%dma_start3A_77] : memref<6400xi32, #tpu.memory_space<vmem>> -> memref<128xi32, #tpu.memory_space<vmem>>
    %dma_start3A_79 = arith.constant 0 : i32
    %dma_start3A_80 = arith.constant 0 : i32
    %dma_start3A_81 = tpu.memref_slice %arg2[%dma_start3A_79, %dma_start3A_80] : memref<1000000x16xf32, #tpu.memory_space<hbm>> -> memref<1000000x16xf32, #tpu.memory_space<hbm>>
    tpu.enqueue_indirect_dma source(%dma_start3A_81 : memref<1000000x16xf32, #tpu.memory_space<hbm>>) target(%dma_start3A_76 : memref<128x16xf32, #tpu.memory_space<vmem>>) offsets(%dma_start3A_78 : memref<128xi32, #tpu.memory_space<vmem>>) semaphore(%arg7 : memref<!tpu.dma_semaphore, #tpu.memory_space<semaphore_mem>>)
    %dma_start3A_82 = arith.constant 1280 : i32
    %dma_start3A_83 = arith.constant 0 : i32
    %dma_start3A_84 = tpu.memref_slice %arg6[%dma_start3A_82, %dma_start3A_83] : memref<6400x16xf32, #tpu.memory_space<vmem>> -> memref<128x16xf32, #tpu.memory_space<vmem>>
    %dma_start3A_85 = arith.constant 1280 : i32
    %dma_start3A_86 = tpu.memref_slice %arg5[%dma_start3A_85] : memref<6400xi32, #tpu.memory_space<vmem>> -> memref<128xi32, #tpu.memory_space<vmem>>
    %dma_start3A_87 = arith.constant 0 : i32
    %dma_start3A_88 = arith.constant 0 : i32
    %dma_start3A_89 = tpu.memref_slice %arg2[%dma_start3A_87, %dma_start3A_88] : memref<1000000x16xf32, #tpu.memory_space<hbm>> -> memref<1000000x16xf32, #tpu.memory_space<hbm>>
    tpu.enqueue_indirect_dma source(%dma_start3A_89 : memref<1000000x16xf32, #tpu.memory_space<hbm>>) target(%dma_start3A_84 : memref<128x16xf32, #tpu.memory_space<vmem>>) offsets(%dma_start3A_86 : memref<128xi32, #tpu.memory_space<vmem>>) semaphore(%arg7 : memref<!tpu.dma_semaphore, #tpu.memory_space<semaphore_mem>>)
    %dma_start3A_90 = arith.constant 1408 : i32
    %dma_start3A_91 = arith.constant 0 : i32
    %dma_start3A_92 = tpu.memref_slice %arg6[%dma_start3A_90, %dma_start3A_91] : memref<6400x16xf32, #tpu.memory_space<vmem>> -> memref<128x16xf32, #tpu.memory_space<vmem>>
    %dma_start3A_93 = arith.constant 1408 : i32
    %dma_start3A_94 = tpu.memref_slice %arg5[%dma_start3A_93] : memref<6400xi32, #tpu.memory_space<vmem>> -> memref<128xi32, #tpu.memory_space<vmem>>
    %dma_start3A_95 = arith.constant 0 : i32
    %dma_start3A_96 = arith.constant 0 : i32
    %dma_start3A_97 = tpu.memref_slice %arg2[%dma_start3A_95, %dma_start3A_96] : memref<1000000x16xf32, #tpu.memory_space<hbm>> -> memref<1000000x16xf32, #tpu.memory_space<hbm>>
    tpu.enqueue_indirect_dma source(%dma_start3A_97 : memref<1000000x16xf32, #tpu.memory_space<hbm>>) target(%dma_start3A_92 : memref<128x16xf32, #tpu.memory_space<vmem>>) offsets(%dma_start3A_94 : memref<128xi32, #tpu.memory_space<vmem>>) semaphore(%arg7 : memref<!tpu.dma_semaphore, #tpu.memory_space<semaphore_mem>>)
    %dma_start3A_98 = arith.constant 1536 : i32
    %dma_start3A_99 = arith.constant 0 : i32
    %dma_start3A_100 = tpu.memref_slice %arg6[%dma_start3A_98, %dma_start3A_99] : memref<6400x16xf32, #tpu.memory_space<vmem>> -> memref<128x16xf32, #tpu.memory_space<vmem>>
    %dma_start3A_101 = arith.constant 1536 : i32
    %dma_start3A_102 = tpu.memref_slice %arg5[%dma_start3A_101] : memref<6400xi32, #tpu.memory_space<vmem>> -> memref<128xi32, #tpu.memory_space<vmem>>
    %dma_start3A_103 = arith.constant 0 : i32
    %dma_start3A_104 = arith.constant 0 : i32
    %dma_start3A_105 = tpu.memref_slice %arg2[%dma_start3A_103, %dma_start3A_104] : memref<1000000x16xf32, #tpu.memory_space<hbm>> -> memref<1000000x16xf32, #tpu.memory_space<hbm>>
    tpu.enqueue_indirect_dma source(%dma_start3A_105 : memref<1000000x16xf32, #tpu.memory_space<hbm>>) target(%dma_start3A_100 : memref<128x16xf32, #tpu.memory_space<vmem>>) offsets(%dma_start3A_102 : memref<128xi32, #tpu.memory_space<vmem>>) semaphore(%arg7 : memref<!tpu.dma_semaphore, #tpu.memory_space<semaphore_mem>>)
    %dma_start3A_106 = arith.constant 1664 : i32
    %dma_start3A_107 = arith.constant 0 : i32
    %dma_start3A_108 = tpu.memref_slice %arg6[%dma_start3A_106, %dma_start3A_107] : memref<6400x16xf32, #tpu.memory_space<vmem>> -> memref<128x16xf32, #tpu.memory_space<vmem>>
    %dma_start3A_109 = arith.constant 1664 : i32
    %dma_start3A_110 = tpu.memref_slice %arg5[%dma_start3A_109] : memref<6400xi32, #tpu.memory_space<vmem>> -> memref<128xi32, #tpu.memory_space<vmem>>
    %dma_start3A_111 = arith.constant 0 : i32
    %dma_start3A_112 = arith.constant 0 : i32
    %dma_start3A_113 = tpu.memref_slice %arg2[%dma_start3A_111, %dma_start3A_112] : memref<1000000x16xf32, #tpu.memory_space<hbm>> -> memref<1000000x16xf32, #tpu.memory_space<hbm>>
    tpu.enqueue_indirect_dma source(%dma_start3A_113 : memref<1000000x16xf32, #tpu.memory_space<hbm>>) target(%dma_start3A_108 : memref<128x16xf32, #tpu.memory_space<vmem>>) offsets(%dma_start3A_110 : memref<128xi32, #tpu.memory_space<vmem>>) semaphore(%arg7 : memref<!tpu.dma_semaphore, #tpu.memory_space<semaphore_mem>>)
    %dma_start3A_114 = arith.constant 1792 : i32
    %dma_start3A_115 = arith.constant 0 : i32
    %dma_start3A_116 = tpu.memref_slice %arg6[%dma_start3A_114, %dma_start3A_115] : memref<6400x16xf32, #tpu.memory_space<vmem>> -> memref<128x16xf32, #tpu.memory_space<vmem>>
    %dma_start3A_117 = arith.constant 1792 : i32
    %dma_start3A_118 = tpu.memref_slice %arg5[%dma_start3A_117] : memref<6400xi32, #tpu.memory_space<vmem>> -> memref<128xi32, #tpu.memory_space<vmem>>
    %dma_start3A_119 = arith.constant 0 : i32
    %dma_start3A_120 = arith.constant 0 : i32
    %dma_start3A_121 = tpu.memref_slice %arg2[%dma_start3A_119, %dma_start3A_120] : memref<1000000x16xf32, #tpu.memory_space<hbm>> -> memref<1000000x16xf32, #tpu.memory_space<hbm>>
    tpu.enqueue_indirect_dma source(%dma_start3A_121 : memref<1000000x16xf32, #tpu.memory_space<hbm>>) target(%dma_start3A_116 : memref<128x16xf32, #tpu.memory_space<vmem>>) offsets(%dma_start3A_118 : memref<128xi32, #tpu.memory_space<vmem>>) semaphore(%arg7 : memref<!tpu.dma_semaphore, #tpu.memory_space<semaphore_mem>>)
    %dma_start3A_122 = arith.constant 1920 : i32
    %dma_start3A_123 = arith.constant 0 : i32
    %dma_start3A_124 = tpu.memref_slice %arg6[%dma_start3A_122, %dma_start3A_123] : memref<6400x16xf32, #tpu.memory_space<vmem>> -> memref<128x16xf32, #tpu.memory_space<vmem>>
    %dma_start3A_125 = arith.constant 1920 : i32
    %dma_start3A_126 = tpu.memref_slice %arg5[%dma_start3A_125] : memref<6400xi32, #tpu.memory_space<vmem>> -> memref<128xi32, #tpu.memory_space<vmem>>
    %dma_start3A_127 = arith.constant 0 : i32
    %dma_start3A_128 = arith.constant 0 : i32
    %dma_start3A_129 = tpu.memref_slice %arg2[%dma_start3A_127, %dma_start3A_128] : memref<1000000x16xf32, #tpu.memory_space<hbm>> -> memref<1000000x16xf32, #tpu.memory_space<hbm>>
    tpu.enqueue_indirect_dma source(%dma_start3A_129 : memref<1000000x16xf32, #tpu.memory_space<hbm>>) target(%dma_start3A_124 : memref<128x16xf32, #tpu.memory_space<vmem>>) offsets(%dma_start3A_126 : memref<128xi32, #tpu.memory_space<vmem>>) semaphore(%arg7 : memref<!tpu.dma_semaphore, #tpu.memory_space<semaphore_mem>>)
    %dma_start3A_130 = arith.constant 2048 : i32
    %dma_start3A_131 = arith.constant 0 : i32
    %dma_start3A_132 = tpu.memref_slice %arg6[%dma_start3A_130, %dma_start3A_131] : memref<6400x16xf32, #tpu.memory_space<vmem>> -> memref<128x16xf32, #tpu.memory_space<vmem>>
    %dma_start3A_133 = arith.constant 2048 : i32
    %dma_start3A_134 = tpu.memref_slice %arg5[%dma_start3A_133] : memref<6400xi32, #tpu.memory_space<vmem>> -> memref<128xi32, #tpu.memory_space<vmem>>
    %dma_start3A_135 = arith.constant 0 : i32
    %dma_start3A_136 = arith.constant 0 : i32
    %dma_start3A_137 = tpu.memref_slice %arg2[%dma_start3A_135, %dma_start3A_136] : memref<1000000x16xf32, #tpu.memory_space<hbm>> -> memref<1000000x16xf32, #tpu.memory_space<hbm>>
    tpu.enqueue_indirect_dma source(%dma_start3A_137 : memref<1000000x16xf32, #tpu.memory_space<hbm>>) target(%dma_start3A_132 : memref<128x16xf32, #tpu.memory_space<vmem>>) offsets(%dma_start3A_134 : memref<128xi32, #tpu.memory_space<vmem>>) semaphore(%arg7 : memref<!tpu.dma_semaphore, #tpu.memory_space<semaphore_mem>>)
    %dma_start3A_138 = arith.constant 2176 : i32
    %dma_start3A_139 = arith.constant 0 : i32
    %dma_start3A_140 = tpu.memref_slice %arg6[%dma_start3A_138, %dma_start3A_139] : memref<6400x16xf32, #tpu.memory_space<vmem>> -> memref<128x16xf32, #tpu.memory_space<vmem>>
    %dma_start3A_141 = arith.constant 2176 : i32
    %dma_start3A_142 = tpu.memref_slice %arg5[%dma_start3A_141] : memref<6400xi32, #tpu.memory_space<vmem>> -> memref<128xi32, #tpu.memory_space<vmem>>
    %dma_start3A_143 = arith.constant 0 : i32
    %dma_start3A_144 = arith.constant 0 : i32
    %dma_start3A_145 = tpu.memref_slice %arg2[%dma_start3A_143, %dma_start3A_144] : memref<1000000x16xf32, #tpu.memory_space<hbm>> -> memref<1000000x16xf32, #tpu.memory_space<hbm>>
    tpu.enqueue_indirect_dma source(%dma_start3A_145 : memref<1000000x16xf32, #tpu.memory_space<hbm>>) target(%dma_start3A_140 : memref<128x16xf32, #tpu.memory_space<vmem>>) offsets(%dma_start3A_142 : memref<128xi32, #tpu.memory_space<vmem>>) semaphore(%arg7 : memref<!tpu.dma_semaphore, #tpu.memory_space<semaphore_mem>>)
    %dma_start3A_146 = arith.constant 2304 : i32
    %dma_start3A_147 = arith.constant 0 : i32
    %dma_start3A_148 = tpu.memref_slice %arg6[%dma_start3A_146, %dma_start3A_147] : memref<6400x16xf32, #tpu.memory_space<vmem>> -> memref<128x16xf32, #tpu.memory_space<vmem>>
    %dma_start3A_149 = arith.constant 2304 : i32
    %dma_start3A_150 = tpu.memref_slice %arg5[%dma_start3A_149] : memref<6400xi32, #tpu.memory_space<vmem>> -> memref<128xi32, #tpu.memory_space<vmem>>
    %dma_start3A_151 = arith.constant 0 : i32
    %dma_start3A_152 = arith.constant 0 : i32
    %dma_start3A_153 = tpu.memref_slice %arg2[%dma_start3A_151, %dma_start3A_152] : memref<1000000x16xf32, #tpu.memory_space<hbm>> -> memref<1000000x16xf32, #tpu.memory_space<hbm>>
    tpu.enqueue_indirect_dma source(%dma_start3A_153 : memref<1000000x16xf32, #tpu.memory_space<hbm>>) target(%dma_start3A_148 : memref<128x16xf32, #tpu.memory_space<vmem>>) offsets(%dma_start3A_150 : memref<128xi32, #tpu.memory_space<vmem>>) semaphore(%arg7 : memref<!tpu.dma_semaphore, #tpu.memory_space<semaphore_mem>>)
    %dma_start3A_154 = arith.constant 2432 : i32
    %dma_start3A_155 = arith.constant 0 : i32
    %dma_start3A_156 = tpu.memref_slice %arg6[%dma_start3A_154, %dma_start3A_155] : memref<6400x16xf32, #tpu.memory_space<vmem>> -> memref<128x16xf32, #tpu.memory_space<vmem>>
    %dma_start3A_157 = arith.constant 2432 : i32
    %dma_start3A_158 = tpu.memref_slice %arg5[%dma_start3A_157] : memref<6400xi32, #tpu.memory_space<vmem>> -> memref<128xi32, #tpu.memory_space<vmem>>
    %dma_start3A_159 = arith.constant 0 : i32
    %dma_start3A_160 = arith.constant 0 : i32
    %dma_start3A_161 = tpu.memref_slice %arg2[%dma_start3A_159, %dma_start3A_160] : memref<1000000x16xf32, #tpu.memory_space<hbm>> -> memref<1000000x16xf32, #tpu.memory_space<hbm>>
    tpu.enqueue_indirect_dma source(%dma_start3A_161 : memref<1000000x16xf32, #tpu.memory_space<hbm>>) target(%dma_start3A_156 : memref<128x16xf32, #tpu.memory_space<vmem>>) offsets(%dma_start3A_158 : memref<128xi32, #tpu.memory_space<vmem>>) semaphore(%arg7 : memref<!tpu.dma_semaphore, #tpu.memory_space<semaphore_mem>>)
    %dma_start3A_162 = arith.constant 2560 : i32
    %dma_start3A_163 = arith.constant 0 : i32
    %dma_start3A_164 = tpu.memref_slice %arg6[%dma_start3A_162, %dma_start3A_163] : memref<6400x16xf32, #tpu.memory_space<vmem>> -> memref<128x16xf32, #tpu.memory_space<vmem>>
    %dma_start3A_165 = arith.constant 2560 : i32
    %dma_start3A_166 = tpu.memref_slice %arg5[%dma_start3A_165] : memref<6400xi32, #tpu.memory_space<vmem>> -> memref<128xi32, #tpu.memory_space<vmem>>
    %dma_start3A_167 = arith.constant 0 : i32
    %dma_start3A_168 = arith.constant 0 : i32
    %dma_start3A_169 = tpu.memref_slice %arg2[%dma_start3A_167, %dma_start3A_168] : memref<1000000x16xf32, #tpu.memory_space<hbm>> -> memref<1000000x16xf32, #tpu.memory_space<hbm>>
    tpu.enqueue_indirect_dma source(%dma_start3A_169 : memref<1000000x16xf32, #tpu.memory_space<hbm>>) target(%dma_start3A_164 : memref<128x16xf32, #tpu.memory_space<vmem>>) offsets(%dma_start3A_166 : memref<128xi32, #tpu.memory_space<vmem>>) semaphore(%arg7 : memref<!tpu.dma_semaphore, #tpu.memory_space<semaphore_mem>>)
    %dma_start3A_170 = arith.constant 2688 : i32
    %dma_start3A_171 = arith.constant 0 : i32
    %dma_start3A_172 = tpu.memref_slice %arg6[%dma_start3A_170, %dma_start3A_171] : memref<6400x16xf32, #tpu.memory_space<vmem>> -> memref<128x16xf32, #tpu.memory_space<vmem>>
    %dma_start3A_173 = arith.constant 2688 : i32
    %dma_start3A_174 = tpu.memref_slice %arg5[%dma_start3A_173] : memref<6400xi32, #tpu.memory_space<vmem>> -> memref<128xi32, #tpu.memory_space<vmem>>
    %dma_start3A_175 = arith.constant 0 : i32
    %dma_start3A_176 = arith.constant 0 : i32
    %dma_start3A_177 = tpu.memref_slice %arg2[%dma_start3A_175, %dma_start3A_176] : memref<1000000x16xf32, #tpu.memory_space<hbm>> -> memref<1000000x16xf32, #tpu.memory_space<hbm>>
    tpu.enqueue_indirect_dma source(%dma_start3A_177 : memref<1000000x16xf32, #tpu.memory_space<hbm>>) target(%dma_start3A_172 : memref<128x16xf32, #tpu.memory_space<vmem>>) offsets(%dma_start3A_174 : memref<128xi32, #tpu.memory_space<vmem>>) semaphore(%arg7 : memref<!tpu.dma_semaphore, #tpu.memory_space<semaphore_mem>>)
    %dma_start3A_178 = arith.constant 2816 : i32
    %dma_start3A_179 = arith.constant 0 : i32
    %dma_start3A_180 = tpu.memref_slice %arg6[%dma_start3A_178, %dma_start3A_179] : memref<6400x16xf32, #tpu.memory_space<vmem>> -> memref<128x16xf32, #tpu.memory_space<vmem>>
    %dma_start3A_181 = arith.constant 2816 : i32
    %dma_start3A_182 = tpu.memref_slice %arg5[%dma_start3A_181] : memref<6400xi32, #tpu.memory_space<vmem>> -> memref<128xi32, #tpu.memory_space<vmem>>
    %dma_start3A_183 = arith.constant 0 : i32
    %dma_start3A_184 = arith.constant 0 : i32
    %dma_start3A_185 = tpu.memref_slice %arg2[%dma_start3A_183, %dma_start3A_184] : memref<1000000x16xf32, #tpu.memory_space<hbm>> -> memref<1000000x16xf32, #tpu.memory_space<hbm>>
    tpu.enqueue_indirect_dma source(%dma_start3A_185 : memref<1000000x16xf32, #tpu.memory_space<hbm>>) target(%dma_start3A_180 : memref<128x16xf32, #tpu.memory_space<vmem>>) offsets(%dma_start3A_182 : memref<128xi32, #tpu.memory_space<vmem>>) semaphore(%arg7 : memref<!tpu.dma_semaphore, #tpu.memory_space<semaphore_mem>>)
    %dma_start3A_186 = arith.constant 2944 : i32
    %dma_start3A_187 = arith.constant 0 : i32
    %dma_start3A_188 = tpu.memref_slice %arg6[%dma_start3A_186, %dma_start3A_187] : memref<6400x16xf32, #tpu.memory_space<vmem>> -> memref<128x16xf32, #tpu.memory_space<vmem>>
    %dma_start3A_189 = arith.constant 2944 : i32
    %dma_start3A_190 = tpu.memref_slice %arg5[%dma_start3A_189] : memref<6400xi32, #tpu.memory_space<vmem>> -> memref<128xi32, #tpu.memory_space<vmem>>
    %dma_start3A_191 = arith.constant 0 : i32
    %dma_start3A_192 = arith.constant 0 : i32
    %dma_start3A_193 = tpu.memref_slice %arg2[%dma_start3A_191, %dma_start3A_192] : memref<1000000x16xf32, #tpu.memory_space<hbm>> -> memref<1000000x16xf32, #tpu.memory_space<hbm>>
    tpu.enqueue_indirect_dma source(%dma_start3A_193 : memref<1000000x16xf32, #tpu.memory_space<hbm>>) target(%dma_start3A_188 : memref<128x16xf32, #tpu.memory_space<vmem>>) offsets(%dma_start3A_190 : memref<128xi32, #tpu.memory_space<vmem>>) semaphore(%arg7 : memref<!tpu.dma_semaphore, #tpu.memory_space<semaphore_mem>>)
    %dma_start3A_194 = arith.constant 3072 : i32
    %dma_start3A_195 = arith.constant 0 : i32
    %dma_start3A_196 = tpu.memref_slice %arg6[%dma_start3A_194, %dma_start3A_195] : memref<6400x16xf32, #tpu.memory_space<vmem>> -> memref<128x16xf32, #tpu.memory_space<vmem>>
    %dma_start3A_197 = arith.constant 3072 : i32
    %dma_start3A_198 = tpu.memref_slice %arg5[%dma_start3A_197] : memref<6400xi32, #tpu.memory_space<vmem>> -> memref<128xi32, #tpu.memory_space<vmem>>
    %dma_start3A_199 = arith.constant 0 : i32
    %dma_start3A_200 = arith.constant 0 : i32
    %dma_start3A_201 = tpu.memref_slice %arg2[%dma_start3A_199, %dma_start3A_200] : memref<1000000x16xf32, #tpu.memory_space<hbm>> -> memref<1000000x16xf32, #tpu.memory_space<hbm>>
    tpu.enqueue_indirect_dma source(%dma_start3A_201 : memref<1000000x16xf32, #tpu.memory_space<hbm>>) target(%dma_start3A_196 : memref<128x16xf32, #tpu.memory_space<vmem>>) offsets(%dma_start3A_198 : memref<128xi32, #tpu.memory_space<vmem>>) semaphore(%arg7 : memref<!tpu.dma_semaphore, #tpu.memory_space<semaphore_mem>>)
    %dma_start3A_202 = arith.constant 3200 : i32
    %dma_start3A_203 = arith.constant 0 : i32
    %dma_start3A_204 = tpu.memref_slice %arg6[%dma_start3A_202, %dma_start3A_203] : memref<6400x16xf32, #tpu.memory_space<vmem>> -> memref<128x16xf32, #tpu.memory_space<vmem>>
    %dma_start3A_205 = arith.constant 3200 : i32
    %dma_start3A_206 = tpu.memref_slice %arg5[%dma_start3A_205] : memref<6400xi32, #tpu.memory_space<vmem>> -> memref<128xi32, #tpu.memory_space<vmem>>
    %dma_start3A_207 = arith.constant 0 : i32
    %dma_start3A_208 = arith.constant 0 : i32
    %dma_start3A_209 = tpu.memref_slice %arg2[%dma_start3A_207, %dma_start3A_208] : memref<1000000x16xf32, #tpu.memory_space<hbm>> -> memref<1000000x16xf32, #tpu.memory_space<hbm>>
    tpu.enqueue_indirect_dma source(%dma_start3A_209 : memref<1000000x16xf32, #tpu.memory_space<hbm>>) target(%dma_start3A_204 : memref<128x16xf32, #tpu.memory_space<vmem>>) offsets(%dma_start3A_206 : memref<128xi32, #tpu.memory_space<vmem>>) semaphore(%arg7 : memref<!tpu.dma_semaphore, #tpu.memory_space<semaphore_mem>>)
    %dma_start3A_210 = arith.constant 3328 : i32
    %dma_start3A_211 = arith.constant 0 : i32
    %dma_start3A_212 = tpu.memref_slice %arg6[%dma_start3A_210, %dma_start3A_211] : memref<6400x16xf32, #tpu.memory_space<vmem>> -> memref<128x16xf32, #tpu.memory_space<vmem>>
    %dma_start3A_213 = arith.constant 3328 : i32
    %dma_start3A_214 = tpu.memref_slice %arg5[%dma_start3A_213] : memref<6400xi32, #tpu.memory_space<vmem>> -> memref<128xi32, #tpu.memory_space<vmem>>
    %dma_start3A_215 = arith.constant 0 : i32
    %dma_start3A_216 = arith.constant 0 : i32
    %dma_start3A_217 = tpu.memref_slice %arg2[%dma_start3A_215, %dma_start3A_216] : memref<1000000x16xf32, #tpu.memory_space<hbm>> -> memref<1000000x16xf32, #tpu.memory_space<hbm>>
    tpu.enqueue_indirect_dma source(%dma_start3A_217 : memref<1000000x16xf32, #tpu.memory_space<hbm>>) target(%dma_start3A_212 : memref<128x16xf32, #tpu.memory_space<vmem>>) offsets(%dma_start3A_214 : memref<128xi32, #tpu.memory_space<vmem>>) semaphore(%arg7 : memref<!tpu.dma_semaphore, #tpu.memory_space<semaphore_mem>>)
    %dma_start3A_218 = arith.constant 3456 : i32
    %dma_start3A_219 = arith.constant 0 : i32
    %dma_start3A_220 = tpu.memref_slice %arg6[%dma_start3A_218, %dma_start3A_219] : memref<6400x16xf32, #tpu.memory_space<vmem>> -> memref<128x16xf32, #tpu.memory_space<vmem>>
    %dma_start3A_221 = arith.constant 3456 : i32
    %dma_start3A_222 = tpu.memref_slice %arg5[%dma_start3A_221] : memref<6400xi32, #tpu.memory_space<vmem>> -> memref<128xi32, #tpu.memory_space<vmem>>
    %dma_start3A_223 = arith.constant 0 : i32
    %dma_start3A_224 = arith.constant 0 : i32
    %dma_start3A_225 = tpu.memref_slice %arg2[%dma_start3A_223, %dma_start3A_224] : memref<1000000x16xf32, #tpu.memory_space<hbm>> -> memref<1000000x16xf32, #tpu.memory_space<hbm>>
    tpu.enqueue_indirect_dma source(%dma_start3A_225 : memref<1000000x16xf32, #tpu.memory_space<hbm>>) target(%dma_start3A_220 : memref<128x16xf32, #tpu.memory_space<vmem>>) offsets(%dma_start3A_222 : memref<128xi32, #tpu.memory_space<vmem>>) semaphore(%arg7 : memref<!tpu.dma_semaphore, #tpu.memory_space<semaphore_mem>>)
    %dma_start3A_226 = arith.constant 3584 : i32
    %dma_start3A_227 = arith.constant 0 : i32
    %dma_start3A_228 = tpu.memref_slice %arg6[%dma_start3A_226, %dma_start3A_227] : memref<6400x16xf32, #tpu.memory_space<vmem>> -> memref<128x16xf32, #tpu.memory_space<vmem>>
    %dma_start3A_229 = arith.constant 3584 : i32
    %dma_start3A_230 = tpu.memref_slice %arg5[%dma_start3A_229] : memref<6400xi32, #tpu.memory_space<vmem>> -> memref<128xi32, #tpu.memory_space<vmem>>
    %dma_start3A_231 = arith.constant 0 : i32
    %dma_start3A_232 = arith.constant 0 : i32
    %dma_start3A_233 = tpu.memref_slice %arg2[%dma_start3A_231, %dma_start3A_232] : memref<1000000x16xf32, #tpu.memory_space<hbm>> -> memref<1000000x16xf32, #tpu.memory_space<hbm>>
    tpu.enqueue_indirect_dma source(%dma_start3A_233 : memref<1000000x16xf32, #tpu.memory_space<hbm>>) target(%dma_start3A_228 : memref<128x16xf32, #tpu.memory_space<vmem>>) offsets(%dma_start3A_230 : memref<128xi32, #tpu.memory_space<vmem>>) semaphore(%arg7 : memref<!tpu.dma_semaphore, #tpu.memory_space<semaphore_mem>>)
    %dma_start3A_234 = arith.constant 3712 : i32
    %dma_start3A_235 = arith.constant 0 : i32
    %dma_start3A_236 = tpu.memref_slice %arg6[%dma_start3A_234, %dma_start3A_235] : memref<6400x16xf32, #tpu.memory_space<vmem>> -> memref<128x16xf32, #tpu.memory_space<vmem>>
    %dma_start3A_237 = arith.constant 3712 : i32
    %dma_start3A_238 = tpu.memref_slice %arg5[%dma_start3A_237] : memref<6400xi32, #tpu.memory_space<vmem>> -> memref<128xi32, #tpu.memory_space<vmem>>
    %dma_start3A_239 = arith.constant 0 : i32
    %dma_start3A_240 = arith.constant 0 : i32
    %dma_start3A_241 = tpu.memref_slice %arg2[%dma_start3A_239, %dma_start3A_240] : memref<1000000x16xf32, #tpu.memory_space<hbm>> -> memref<1000000x16xf32, #tpu.memory_space<hbm>>
    tpu.enqueue_indirect_dma source(%dma_start3A_241 : memref<1000000x16xf32, #tpu.memory_space<hbm>>) target(%dma_start3A_236 : memref<128x16xf32, #tpu.memory_space<vmem>>) offsets(%dma_start3A_238 : memref<128xi32, #tpu.memory_space<vmem>>) semaphore(%arg7 : memref<!tpu.dma_semaphore, #tpu.memory_space<semaphore_mem>>)
    %dma_start3A_242 = arith.constant 3840 : i32
    %dma_start3A_243 = arith.constant 0 : i32
    %dma_start3A_244 = tpu.memref_slice %arg6[%dma_start3A_242, %dma_start3A_243] : memref<6400x16xf32, #tpu.memory_space<vmem>> -> memref<128x16xf32, #tpu.memory_space<vmem>>
    %dma_start3A_245 = arith.constant 3840 : i32
    %dma_start3A_246 = tpu.memref_slice %arg5[%dma_start3A_245] : memref<6400xi32, #tpu.memory_space<vmem>> -> memref<128xi32, #tpu.memory_space<vmem>>
    %dma_start3A_247 = arith.constant 0 : i32
    %dma_start3A_248 = arith.constant 0 : i32
    %dma_start3A_249 = tpu.memref_slice %arg2[%dma_start3A_247, %dma_start3A_248] : memref<1000000x16xf32, #tpu.memory_space<hbm>> -> memref<1000000x16xf32, #tpu.memory_space<hbm>>
    tpu.enqueue_indirect_dma source(%dma_start3A_249 : memref<1000000x16xf32, #tpu.memory_space<hbm>>) target(%dma_start3A_244 : memref<128x16xf32, #tpu.memory_space<vmem>>) offsets(%dma_start3A_246 : memref<128xi32, #tpu.memory_space<vmem>>) semaphore(%arg7 : memref<!tpu.dma_semaphore, #tpu.memory_space<semaphore_mem>>)
    %dma_start3A_250 = arith.constant 3968 : i32
    %dma_start3A_251 = arith.constant 0 : i32
    %dma_start3A_252 = tpu.memref_slice %arg6[%dma_start3A_250, %dma_start3A_251] : memref<6400x16xf32, #tpu.memory_space<vmem>> -> memref<128x16xf32, #tpu.memory_space<vmem>>
    %dma_start3A_253 = arith.constant 3968 : i32
    %dma_start3A_254 = tpu.memref_slice %arg5[%dma_start3A_253] : memref<6400xi32, #tpu.memory_space<vmem>> -> memref<128xi32, #tpu.memory_space<vmem>>
    %dma_start3A_255 = arith.constant 0 : i32
    %dma_start3A_256 = arith.constant 0 : i32
    %dma_start3A_257 = tpu.memref_slice %arg2[%dma_start3A_255, %dma_start3A_256] : memref<1000000x16xf32, #tpu.memory_space<hbm>> -> memref<1000000x16xf32, #tpu.memory_space<hbm>>
    tpu.enqueue_indirect_dma source(%dma_start3A_257 : memref<1000000x16xf32, #tpu.memory_space<hbm>>) target(%dma_start3A_252 : memref<128x16xf32, #tpu.memory_space<vmem>>) offsets(%dma_start3A_254 : memref<128xi32, #tpu.memory_space<vmem>>) semaphore(%arg7 : memref<!tpu.dma_semaphore, #tpu.memory_space<semaphore_mem>>)
    %dma_start3A_258 = arith.constant 4096 : i32
    %dma_start3A_259 = arith.constant 0 : i32
    %dma_start3A_260 = tpu.memref_slice %arg6[%dma_start3A_258, %dma_start3A_259] : memref<6400x16xf32, #tpu.memory_space<vmem>> -> memref<128x16xf32, #tpu.memory_space<vmem>>
    %dma_start3A_261 = arith.constant 4096 : i32
    %dma_start3A_262 = tpu.memref_slice %arg5[%dma_start3A_261] : memref<6400xi32, #tpu.memory_space<vmem>> -> memref<128xi32, #tpu.memory_space<vmem>>
    %dma_start3A_263 = arith.constant 0 : i32
    %dma_start3A_264 = arith.constant 0 : i32
    %dma_start3A_265 = tpu.memref_slice %arg2[%dma_start3A_263, %dma_start3A_264] : memref<1000000x16xf32, #tpu.memory_space<hbm>> -> memref<1000000x16xf32, #tpu.memory_space<hbm>>
    tpu.enqueue_indirect_dma source(%dma_start3A_265 : memref<1000000x16xf32, #tpu.memory_space<hbm>>) target(%dma_start3A_260 : memref<128x16xf32, #tpu.memory_space<vmem>>) offsets(%dma_start3A_262 : memref<128xi32, #tpu.memory_space<vmem>>) semaphore(%arg7 : memref<!tpu.dma_semaphore, #tpu.memory_space<semaphore_mem>>)
    %dma_start3A_266 = arith.constant 4224 : i32
    %dma_start3A_267 = arith.constant 0 : i32
    %dma_start3A_268 = tpu.memref_slice %arg6[%dma_start3A_266, %dma_start3A_267] : memref<6400x16xf32, #tpu.memory_space<vmem>> -> memref<128x16xf32, #tpu.memory_space<vmem>>
    %dma_start3A_269 = arith.constant 4224 : i32
    %dma_start3A_270 = tpu.memref_slice %arg5[%dma_start3A_269] : memref<6400xi32, #tpu.memory_space<vmem>> -> memref<128xi32, #tpu.memory_space<vmem>>
    %dma_start3A_271 = arith.constant 0 : i32
    %dma_start3A_272 = arith.constant 0 : i32
    %dma_start3A_273 = tpu.memref_slice %arg2[%dma_start3A_271, %dma_start3A_272] : memref<1000000x16xf32, #tpu.memory_space<hbm>> -> memref<1000000x16xf32, #tpu.memory_space<hbm>>
    tpu.enqueue_indirect_dma source(%dma_start3A_273 : memref<1000000x16xf32, #tpu.memory_space<hbm>>) target(%dma_start3A_268 : memref<128x16xf32, #tpu.memory_space<vmem>>) offsets(%dma_start3A_270 : memref<128xi32, #tpu.memory_space<vmem>>) semaphore(%arg7 : memref<!tpu.dma_semaphore, #tpu.memory_space<semaphore_mem>>)
    %dma_start3A_274 = arith.constant 4352 : i32
    %dma_start3A_275 = arith.constant 0 : i32
    %dma_start3A_276 = tpu.memref_slice %arg6[%dma_start3A_274, %dma_start3A_275] : memref<6400x16xf32, #tpu.memory_space<vmem>> -> memref<128x16xf32, #tpu.memory_space<vmem>>
    %dma_start3A_277 = arith.constant 4352 : i32
    %dma_start3A_278 = tpu.memref_slice %arg5[%dma_start3A_277] : memref<6400xi32, #tpu.memory_space<vmem>> -> memref<128xi32, #tpu.memory_space<vmem>>
    %dma_start3A_279 = arith.constant 0 : i32
    %dma_start3A_280 = arith.constant 0 : i32
    %dma_start3A_281 = tpu.memref_slice %arg2[%dma_start3A_279, %dma_start3A_280] : memref<1000000x16xf32, #tpu.memory_space<hbm>> -> memref<1000000x16xf32, #tpu.memory_space<hbm>>
    tpu.enqueue_indirect_dma source(%dma_start3A_281 : memref<1000000x16xf32, #tpu.memory_space<hbm>>) target(%dma_start3A_276 : memref<128x16xf32, #tpu.memory_space<vmem>>) offsets(%dma_start3A_278 : memref<128xi32, #tpu.memory_space<vmem>>) semaphore(%arg7 : memref<!tpu.dma_semaphore, #tpu.memory_space<semaphore_mem>>)
    %dma_start3A_282 = arith.constant 4480 : i32
    %dma_start3A_283 = arith.constant 0 : i32
    %dma_start3A_284 = tpu.memref_slice %arg6[%dma_start3A_282, %dma_start3A_283] : memref<6400x16xf32, #tpu.memory_space<vmem>> -> memref<128x16xf32, #tpu.memory_space<vmem>>
    %dma_start3A_285 = arith.constant 4480 : i32
    %dma_start3A_286 = tpu.memref_slice %arg5[%dma_start3A_285] : memref<6400xi32, #tpu.memory_space<vmem>> -> memref<128xi32, #tpu.memory_space<vmem>>
    %dma_start3A_287 = arith.constant 0 : i32
    %dma_start3A_288 = arith.constant 0 : i32
    %dma_start3A_289 = tpu.memref_slice %arg2[%dma_start3A_287, %dma_start3A_288] : memref<1000000x16xf32, #tpu.memory_space<hbm>> -> memref<1000000x16xf32, #tpu.memory_space<hbm>>
    tpu.enqueue_indirect_dma source(%dma_start3A_289 : memref<1000000x16xf32, #tpu.memory_space<hbm>>) target(%dma_start3A_284 : memref<128x16xf32, #tpu.memory_space<vmem>>) offsets(%dma_start3A_286 : memref<128xi32, #tpu.memory_space<vmem>>) semaphore(%arg7 : memref<!tpu.dma_semaphore, #tpu.memory_space<semaphore_mem>>)
    %dma_start3A_290 = arith.constant 4608 : i32
    %dma_start3A_291 = arith.constant 0 : i32
    %dma_start3A_292 = tpu.memref_slice %arg6[%dma_start3A_290, %dma_start3A_291] : memref<6400x16xf32, #tpu.memory_space<vmem>> -> memref<128x16xf32, #tpu.memory_space<vmem>>
    %dma_start3A_293 = arith.constant 4608 : i32
    %dma_start3A_294 = tpu.memref_slice %arg5[%dma_start3A_293] : memref<6400xi32, #tpu.memory_space<vmem>> -> memref<128xi32, #tpu.memory_space<vmem>>
    %dma_start3A_295 = arith.constant 0 : i32
    %dma_start3A_296 = arith.constant 0 : i32
    %dma_start3A_297 = tpu.memref_slice %arg2[%dma_start3A_295, %dma_start3A_296] : memref<1000000x16xf32, #tpu.memory_space<hbm>> -> memref<1000000x16xf32, #tpu.memory_space<hbm>>
    tpu.enqueue_indirect_dma source(%dma_start3A_297 : memref<1000000x16xf32, #tpu.memory_space<hbm>>) target(%dma_start3A_292 : memref<128x16xf32, #tpu.memory_space<vmem>>) offsets(%dma_start3A_294 : memref<128xi32, #tpu.memory_space<vmem>>) semaphore(%arg7 : memref<!tpu.dma_semaphore, #tpu.memory_space<semaphore_mem>>)
    %dma_start3A_298 = arith.constant 4736 : i32
    %dma_start3A_299 = arith.constant 0 : i32
    %dma_start3A_300 = tpu.memref_slice %arg6[%dma_start3A_298, %dma_start3A_299] : memref<6400x16xf32, #tpu.memory_space<vmem>> -> memref<128x16xf32, #tpu.memory_space<vmem>>
    %dma_start3A_301 = arith.constant 4736 : i32
    %dma_start3A_302 = tpu.memref_slice %arg5[%dma_start3A_301] : memref<6400xi32, #tpu.memory_space<vmem>> -> memref<128xi32, #tpu.memory_space<vmem>>
    %dma_start3A_303 = arith.constant 0 : i32
    %dma_start3A_304 = arith.constant 0 : i32
    %dma_start3A_305 = tpu.memref_slice %arg2[%dma_start3A_303, %dma_start3A_304] : memref<1000000x16xf32, #tpu.memory_space<hbm>> -> memref<1000000x16xf32, #tpu.memory_space<hbm>>
    tpu.enqueue_indirect_dma source(%dma_start3A_305 : memref<1000000x16xf32, #tpu.memory_space<hbm>>) target(%dma_start3A_300 : memref<128x16xf32, #tpu.memory_space<vmem>>) offsets(%dma_start3A_302 : memref<128xi32, #tpu.memory_space<vmem>>) semaphore(%arg7 : memref<!tpu.dma_semaphore, #tpu.memory_space<semaphore_mem>>)
    %dma_start3A_306 = arith.constant 4864 : i32
    %dma_start3A_307 = arith.constant 0 : i32
    %dma_start3A_308 = tpu.memref_slice %arg6[%dma_start3A_306, %dma_start3A_307] : memref<6400x16xf32, #tpu.memory_space<vmem>> -> memref<128x16xf32, #tpu.memory_space<vmem>>
    %dma_start3A_309 = arith.constant 4864 : i32
    %dma_start3A_310 = tpu.memref_slice %arg5[%dma_start3A_309] : memref<6400xi32, #tpu.memory_space<vmem>> -> memref<128xi32, #tpu.memory_space<vmem>>
    %dma_start3A_311 = arith.constant 0 : i32
    %dma_start3A_312 = arith.constant 0 : i32
    %dma_start3A_313 = tpu.memref_slice %arg2[%dma_start3A_311, %dma_start3A_312] : memref<1000000x16xf32, #tpu.memory_space<hbm>> -> memref<1000000x16xf32, #tpu.memory_space<hbm>>
    tpu.enqueue_indirect_dma source(%dma_start3A_313 : memref<1000000x16xf32, #tpu.memory_space<hbm>>) target(%dma_start3A_308 : memref<128x16xf32, #tpu.memory_space<vmem>>) offsets(%dma_start3A_310 : memref<128xi32, #tpu.memory_space<vmem>>) semaphore(%arg7 : memref<!tpu.dma_semaphore, #tpu.memory_space<semaphore_mem>>)
    %dma_start3A_314 = arith.constant 4992 : i32
    %dma_start3A_315 = arith.constant 0 : i32
    %dma_start3A_316 = tpu.memref_slice %arg6[%dma_start3A_314, %dma_start3A_315] : memref<6400x16xf32, #tpu.memory_space<vmem>> -> memref<128x16xf32, #tpu.memory_space<vmem>>
    %dma_start3A_317 = arith.constant 4992 : i32
    %dma_start3A_318 = tpu.memref_slice %arg5[%dma_start3A_317] : memref<6400xi32, #tpu.memory_space<vmem>> -> memref<128xi32, #tpu.memory_space<vmem>>
    %dma_start3A_319 = arith.constant 0 : i32
    %dma_start3A_320 = arith.constant 0 : i32
    %dma_start3A_321 = tpu.memref_slice %arg2[%dma_start3A_319, %dma_start3A_320] : memref<1000000x16xf32, #tpu.memory_space<hbm>> -> memref<1000000x16xf32, #tpu.memory_space<hbm>>
    tpu.enqueue_indirect_dma source(%dma_start3A_321 : memref<1000000x16xf32, #tpu.memory_space<hbm>>) target(%dma_start3A_316 : memref<128x16xf32, #tpu.memory_space<vmem>>) offsets(%dma_start3A_318 : memref<128xi32, #tpu.memory_space<vmem>>) semaphore(%arg7 : memref<!tpu.dma_semaphore, #tpu.memory_space<semaphore_mem>>)
    %dma_start3A_322 = arith.constant 5120 : i32
    %dma_start3A_323 = arith.constant 0 : i32
    %dma_start3A_324 = tpu.memref_slice %arg6[%dma_start3A_322, %dma_start3A_323] : memref<6400x16xf32, #tpu.memory_space<vmem>> -> memref<128x16xf32, #tpu.memory_space<vmem>>
    %dma_start3A_325 = arith.constant 5120 : i32
    %dma_start3A_326 = tpu.memref_slice %arg5[%dma_start3A_325] : memref<6400xi32, #tpu.memory_space<vmem>> -> memref<128xi32, #tpu.memory_space<vmem>>
    %dma_start3A_327 = arith.constant 0 : i32
    %dma_start3A_328 = arith.constant 0 : i32
    %dma_start3A_329 = tpu.memref_slice %arg2[%dma_start3A_327, %dma_start3A_328] : memref<1000000x16xf32, #tpu.memory_space<hbm>> -> memref<1000000x16xf32, #tpu.memory_space<hbm>>
    tpu.enqueue_indirect_dma source(%dma_start3A_329 : memref<1000000x16xf32, #tpu.memory_space<hbm>>) target(%dma_start3A_324 : memref<128x16xf32, #tpu.memory_space<vmem>>) offsets(%dma_start3A_326 : memref<128xi32, #tpu.memory_space<vmem>>) semaphore(%arg7 : memref<!tpu.dma_semaphore, #tpu.memory_space<semaphore_mem>>)
    %dma_start3A_330 = arith.constant 5248 : i32
    %dma_start3A_331 = arith.constant 0 : i32
    %dma_start3A_332 = tpu.memref_slice %arg6[%dma_start3A_330, %dma_start3A_331] : memref<6400x16xf32, #tpu.memory_space<vmem>> -> memref<128x16xf32, #tpu.memory_space<vmem>>
    %dma_start3A_333 = arith.constant 5248 : i32
    %dma_start3A_334 = tpu.memref_slice %arg5[%dma_start3A_333] : memref<6400xi32, #tpu.memory_space<vmem>> -> memref<128xi32, #tpu.memory_space<vmem>>
    %dma_start3A_335 = arith.constant 0 : i32
    %dma_start3A_336 = arith.constant 0 : i32
    %dma_start3A_337 = tpu.memref_slice %arg2[%dma_start3A_335, %dma_start3A_336] : memref<1000000x16xf32, #tpu.memory_space<hbm>> -> memref<1000000x16xf32, #tpu.memory_space<hbm>>
    tpu.enqueue_indirect_dma source(%dma_start3A_337 : memref<1000000x16xf32, #tpu.memory_space<hbm>>) target(%dma_start3A_332 : memref<128x16xf32, #tpu.memory_space<vmem>>) offsets(%dma_start3A_334 : memref<128xi32, #tpu.memory_space<vmem>>) semaphore(%arg7 : memref<!tpu.dma_semaphore, #tpu.memory_space<semaphore_mem>>)
    %dma_start3A_338 = arith.constant 5376 : i32
    %dma_start3A_339 = arith.constant 0 : i32
    %dma_start3A_340 = tpu.memref_slice %arg6[%dma_start3A_338, %dma_start3A_339] : memref<6400x16xf32, #tpu.memory_space<vmem>> -> memref<128x16xf32, #tpu.memory_space<vmem>>
    %dma_start3A_341 = arith.constant 5376 : i32
    %dma_start3A_342 = tpu.memref_slice %arg5[%dma_start3A_341] : memref<6400xi32, #tpu.memory_space<vmem>> -> memref<128xi32, #tpu.memory_space<vmem>>
    %dma_start3A_343 = arith.constant 0 : i32
    %dma_start3A_344 = arith.constant 0 : i32
    %dma_start3A_345 = tpu.memref_slice %arg2[%dma_start3A_343, %dma_start3A_344] : memref<1000000x16xf32, #tpu.memory_space<hbm>> -> memref<1000000x16xf32, #tpu.memory_space<hbm>>
    tpu.enqueue_indirect_dma source(%dma_start3A_345 : memref<1000000x16xf32, #tpu.memory_space<hbm>>) target(%dma_start3A_340 : memref<128x16xf32, #tpu.memory_space<vmem>>) offsets(%dma_start3A_342 : memref<128xi32, #tpu.memory_space<vmem>>) semaphore(%arg7 : memref<!tpu.dma_semaphore, #tpu.memory_space<semaphore_mem>>)
    %dma_start3A_346 = arith.constant 5504 : i32
    %dma_start3A_347 = arith.constant 0 : i32
    %dma_start3A_348 = tpu.memref_slice %arg6[%dma_start3A_346, %dma_start3A_347] : memref<6400x16xf32, #tpu.memory_space<vmem>> -> memref<128x16xf32, #tpu.memory_space<vmem>>
    %dma_start3A_349 = arith.constant 5504 : i32
    %dma_start3A_350 = tpu.memref_slice %arg5[%dma_start3A_349] : memref<6400xi32, #tpu.memory_space<vmem>> -> memref<128xi32, #tpu.memory_space<vmem>>
    %dma_start3A_351 = arith.constant 0 : i32
    %dma_start3A_352 = arith.constant 0 : i32
    %dma_start3A_353 = tpu.memref_slice %arg2[%dma_start3A_351, %dma_start3A_352] : memref<1000000x16xf32, #tpu.memory_space<hbm>> -> memref<1000000x16xf32, #tpu.memory_space<hbm>>
    tpu.enqueue_indirect_dma source(%dma_start3A_353 : memref<1000000x16xf32, #tpu.memory_space<hbm>>) target(%dma_start3A_348 : memref<128x16xf32, #tpu.memory_space<vmem>>) offsets(%dma_start3A_350 : memref<128xi32, #tpu.memory_space<vmem>>) semaphore(%arg7 : memref<!tpu.dma_semaphore, #tpu.memory_space<semaphore_mem>>)
    %dma_start3A_354 = arith.constant 5632 : i32
    %dma_start3A_355 = arith.constant 0 : i32
    %dma_start3A_356 = tpu.memref_slice %arg6[%dma_start3A_354, %dma_start3A_355] : memref<6400x16xf32, #tpu.memory_space<vmem>> -> memref<128x16xf32, #tpu.memory_space<vmem>>
    %dma_start3A_357 = arith.constant 5632 : i32
    %dma_start3A_358 = tpu.memref_slice %arg5[%dma_start3A_357] : memref<6400xi32, #tpu.memory_space<vmem>> -> memref<128xi32, #tpu.memory_space<vmem>>
    %dma_start3A_359 = arith.constant 0 : i32
    %dma_start3A_360 = arith.constant 0 : i32
    %dma_start3A_361 = tpu.memref_slice %arg2[%dma_start3A_359, %dma_start3A_360] : memref<1000000x16xf32, #tpu.memory_space<hbm>> -> memref<1000000x16xf32, #tpu.memory_space<hbm>>
    tpu.enqueue_indirect_dma source(%dma_start3A_361 : memref<1000000x16xf32, #tpu.memory_space<hbm>>) target(%dma_start3A_356 : memref<128x16xf32, #tpu.memory_space<vmem>>) offsets(%dma_start3A_358 : memref<128xi32, #tpu.memory_space<vmem>>) semaphore(%arg7 : memref<!tpu.dma_semaphore, #tpu.memory_space<semaphore_mem>>)
    %dma_start3A_362 = arith.constant 5760 : i32
    %dma_start3A_363 = arith.constant 0 : i32
    %dma_start3A_364 = tpu.memref_slice %arg6[%dma_start3A_362, %dma_start3A_363] : memref<6400x16xf32, #tpu.memory_space<vmem>> -> memref<128x16xf32, #tpu.memory_space<vmem>>
    %dma_start3A_365 = arith.constant 5760 : i32
    %dma_start3A_366 = tpu.memref_slice %arg5[%dma_start3A_365] : memref<6400xi32, #tpu.memory_space<vmem>> -> memref<128xi32, #tpu.memory_space<vmem>>
    %dma_start3A_367 = arith.constant 0 : i32
    %dma_start3A_368 = arith.constant 0 : i32
    %dma_start3A_369 = tpu.memref_slice %arg2[%dma_start3A_367, %dma_start3A_368] : memref<1000000x16xf32, #tpu.memory_space<hbm>> -> memref<1000000x16xf32, #tpu.memory_space<hbm>>
    tpu.enqueue_indirect_dma source(%dma_start3A_369 : memref<1000000x16xf32, #tpu.memory_space<hbm>>) target(%dma_start3A_364 : memref<128x16xf32, #tpu.memory_space<vmem>>) offsets(%dma_start3A_366 : memref<128xi32, #tpu.memory_space<vmem>>) semaphore(%arg7 : memref<!tpu.dma_semaphore, #tpu.memory_space<semaphore_mem>>)
    %dma_start3A_370 = arith.constant 5888 : i32
    %dma_start3A_371 = arith.constant 0 : i32
    %dma_start3A_372 = tpu.memref_slice %arg6[%dma_start3A_370, %dma_start3A_371] : memref<6400x16xf32, #tpu.memory_space<vmem>> -> memref<128x16xf32, #tpu.memory_space<vmem>>
    %dma_start3A_373 = arith.constant 5888 : i32
    %dma_start3A_374 = tpu.memref_slice %arg5[%dma_start3A_373] : memref<6400xi32, #tpu.memory_space<vmem>> -> memref<128xi32, #tpu.memory_space<vmem>>
    %dma_start3A_375 = arith.constant 0 : i32
    %dma_start3A_376 = arith.constant 0 : i32
    %dma_start3A_377 = tpu.memref_slice %arg2[%dma_start3A_375, %dma_start3A_376] : memref<1000000x16xf32, #tpu.memory_space<hbm>> -> memref<1000000x16xf32, #tpu.memory_space<hbm>>
    tpu.enqueue_indirect_dma source(%dma_start3A_377 : memref<1000000x16xf32, #tpu.memory_space<hbm>>) target(%dma_start3A_372 : memref<128x16xf32, #tpu.memory_space<vmem>>) offsets(%dma_start3A_374 : memref<128xi32, #tpu.memory_space<vmem>>) semaphore(%arg7 : memref<!tpu.dma_semaphore, #tpu.memory_space<semaphore_mem>>)
    %dma_start3A_378 = arith.constant 6016 : i32
    %dma_start3A_379 = arith.constant 0 : i32
    %dma_start3A_380 = tpu.memref_slice %arg6[%dma_start3A_378, %dma_start3A_379] : memref<6400x16xf32, #tpu.memory_space<vmem>> -> memref<128x16xf32, #tpu.memory_space<vmem>>
    %dma_start3A_381 = arith.constant 6016 : i32
    %dma_start3A_382 = tpu.memref_slice %arg5[%dma_start3A_381] : memref<6400xi32, #tpu.memory_space<vmem>> -> memref<128xi32, #tpu.memory_space<vmem>>
    %dma_start3A_383 = arith.constant 0 : i32
    %dma_start3A_384 = arith.constant 0 : i32
    %dma_start3A_385 = tpu.memref_slice %arg2[%dma_start3A_383, %dma_start3A_384] : memref<1000000x16xf32, #tpu.memory_space<hbm>> -> memref<1000000x16xf32, #tpu.memory_space<hbm>>
    tpu.enqueue_indirect_dma source(%dma_start3A_385 : memref<1000000x16xf32, #tpu.memory_space<hbm>>) target(%dma_start3A_380 : memref<128x16xf32, #tpu.memory_space<vmem>>) offsets(%dma_start3A_382 : memref<128xi32, #tpu.memory_space<vmem>>) semaphore(%arg7 : memref<!tpu.dma_semaphore, #tpu.memory_space<semaphore_mem>>)
    %dma_start3A_386 = arith.constant 6144 : i32
    %dma_start3A_387 = arith.constant 0 : i32
    %dma_start3A_388 = tpu.memref_slice %arg6[%dma_start3A_386, %dma_start3A_387] : memref<6400x16xf32, #tpu.memory_space<vmem>> -> memref<128x16xf32, #tpu.memory_space<vmem>>
    %dma_start3A_389 = arith.constant 6144 : i32
    %dma_start3A_390 = tpu.memref_slice %arg5[%dma_start3A_389] : memref<6400xi32, #tpu.memory_space<vmem>> -> memref<128xi32, #tpu.memory_space<vmem>>
    %dma_start3A_391 = arith.constant 0 : i32
    %dma_start3A_392 = arith.constant 0 : i32
    %dma_start3A_393 = tpu.memref_slice %arg2[%dma_start3A_391, %dma_start3A_392] : memref<1000000x16xf32, #tpu.memory_space<hbm>> -> memref<1000000x16xf32, #tpu.memory_space<hbm>>
    tpu.enqueue_indirect_dma source(%dma_start3A_393 : memref<1000000x16xf32, #tpu.memory_space<hbm>>) target(%dma_start3A_388 : memref<128x16xf32, #tpu.memory_space<vmem>>) offsets(%dma_start3A_390 : memref<128xi32, #tpu.memory_space<vmem>>) semaphore(%arg7 : memref<!tpu.dma_semaphore, #tpu.memory_space<semaphore_mem>>)
    %dma_start3A_394 = arith.constant 6272 : i32
    %dma_start3A_395 = arith.constant 0 : i32
    %dma_start3A_396 = tpu.memref_slice %arg6[%dma_start3A_394, %dma_start3A_395] : memref<6400x16xf32, #tpu.memory_space<vmem>> -> memref<128x16xf32, #tpu.memory_space<vmem>>
    %dma_start3A_397 = arith.constant 6272 : i32
    %dma_start3A_398 = tpu.memref_slice %arg5[%dma_start3A_397] : memref<6400xi32, #tpu.memory_space<vmem>> -> memref<128xi32, #tpu.memory_space<vmem>>
    %dma_start3A_399 = arith.constant 0 : i32
    %dma_start3A_400 = arith.constant 0 : i32
    %dma_start3A_401 = tpu.memref_slice %arg2[%dma_start3A_399, %dma_start3A_400] : memref<1000000x16xf32, #tpu.memory_space<hbm>> -> memref<1000000x16xf32, #tpu.memory_space<hbm>>
    tpu.enqueue_indirect_dma source(%dma_start3A_401 : memref<1000000x16xf32, #tpu.memory_space<hbm>>) target(%dma_start3A_396 : memref<128x16xf32, #tpu.memory_space<vmem>>) offsets(%dma_start3A_398 : memref<128xi32, #tpu.memory_space<vmem>>) semaphore(%arg7 : memref<!tpu.dma_semaphore, #tpu.memory_space<semaphore_mem>>)
    %dma_wait3A = arith.constant 0 : i32
    %dma_wait3A_402 = arith.constant 0 : i32
    %dma_wait3A_403 = tpu.memref_slice %arg6[%dma_wait3A, %dma_wait3A_402] : memref<6400x16xf32, #tpu.memory_space<vmem>> -> memref<128x16xf32, #tpu.memory_space<vmem>>
    %dma_wait3A_404 = arith.constant 0 : i32
    %dma_wait3A_405 = tpu.memref_slice %arg5[%dma_wait3A_404] : memref<6400xi32, #tpu.memory_space<vmem>> -> memref<128xi32, #tpu.memory_space<vmem>>
    %dma_wait3A_406 = arith.constant 0 : i32
    %dma_wait3A_407 = arith.constant 0 : i32
    %dma_wait3A_408 = tpu.memref_slice %arg2[%dma_wait3A_406, %dma_wait3A_407] : memref<1000000x16xf32, #tpu.memory_space<hbm>> -> memref<1000000x16xf32, #tpu.memory_space<hbm>>
    tpu.wait_indirect_dma semaphore(%arg7 : memref<!tpu.dma_semaphore, #tpu.memory_space<semaphore_mem>>) src(%dma_wait3A_408 : memref<1000000x16xf32, #tpu.memory_space<hbm>>) dst(%dma_wait3A_403 : memref<128x16xf32, #tpu.memory_space<vmem>>)
    %dma_wait3A_409 = arith.constant 128 : i32
    %dma_wait3A_410 = arith.constant 0 : i32
    %dma_wait3A_411 = tpu.memref_slice %arg6[%dma_wait3A_409, %dma_wait3A_410] : memref<6400x16xf32, #tpu.memory_space<vmem>> -> memref<128x16xf32, #tpu.memory_space<vmem>>
    %dma_wait3A_412 = arith.constant 128 : i32
    %dma_wait3A_413 = tpu.memref_slice %arg5[%dma_wait3A_412] : memref<6400xi32, #tpu.memory_space<vmem>> -> memref<128xi32, #tpu.memory_space<vmem>>
    %dma_wait3A_414 = arith.constant 0 : i32
    %dma_wait3A_415 = arith.constant 0 : i32
    %dma_wait3A_416 = tpu.memref_slice %arg2[%dma_wait3A_414, %dma_wait3A_415] : memref<1000000x16xf32, #tpu.memory_space<hbm>> -> memref<1000000x16xf32, #tpu.memory_space<hbm>>
    tpu.wait_indirect_dma semaphore(%arg7 : memref<!tpu.dma_semaphore, #tpu.memory_space<semaphore_mem>>) src(%dma_wait3A_416 : memref<1000000x16xf32, #tpu.memory_space<hbm>>) dst(%dma_wait3A_411 : memref<128x16xf32, #tpu.memory_space<vmem>>)
    %dma_wait3A_417 = arith.constant 256 : i32
    %dma_wait3A_418 = arith.constant 0 : i32
    %dma_wait3A_419 = tpu.memref_slice %arg6[%dma_wait3A_417, %dma_wait3A_418] : memref<6400x16xf32, #tpu.memory_space<vmem>> -> memref<128x16xf32, #tpu.memory_space<vmem>>
    %dma_wait3A_420 = arith.constant 256 : i32
    %dma_wait3A_421 = tpu.memref_slice %arg5[%dma_wait3A_420] : memref<6400xi32, #tpu.memory_space<vmem>> -> memref<128xi32, #tpu.memory_space<vmem>>
    %dma_wait3A_422 = arith.constant 0 : i32
    %dma_wait3A_423 = arith.constant 0 : i32
    %dma_wait3A_424 = tpu.memref_slice %arg2[%dma_wait3A_422, %dma_wait3A_423] : memref<1000000x16xf32, #tpu.memory_space<hbm>> -> memref<1000000x16xf32, #tpu.memory_space<hbm>>
    tpu.wait_indirect_dma semaphore(%arg7 : memref<!tpu.dma_semaphore, #tpu.memory_space<semaphore_mem>>) src(%dma_wait3A_424 : memref<1000000x16xf32, #tpu.memory_space<hbm>>) dst(%dma_wait3A_419 : memref<128x16xf32, #tpu.memory_space<vmem>>)
    %dma_wait3A_425 = arith.constant 384 : i32
    %dma_wait3A_426 = arith.constant 0 : i32
    %dma_wait3A_427 = tpu.memref_slice %arg6[%dma_wait3A_425, %dma_wait3A_426] : memref<6400x16xf32, #tpu.memory_space<vmem>> -> memref<128x16xf32, #tpu.memory_space<vmem>>
    %dma_wait3A_428 = arith.constant 384 : i32
    %dma_wait3A_429 = tpu.memref_slice %arg5[%dma_wait3A_428] : memref<6400xi32, #tpu.memory_space<vmem>> -> memref<128xi32, #tpu.memory_space<vmem>>
    %dma_wait3A_430 = arith.constant 0 : i32
    %dma_wait3A_431 = arith.constant 0 : i32
    %dma_wait3A_432 = tpu.memref_slice %arg2[%dma_wait3A_430, %dma_wait3A_431] : memref<1000000x16xf32, #tpu.memory_space<hbm>> -> memref<1000000x16xf32, #tpu.memory_space<hbm>>
    tpu.wait_indirect_dma semaphore(%arg7 : memref<!tpu.dma_semaphore, #tpu.memory_space<semaphore_mem>>) src(%dma_wait3A_432 : memref<1000000x16xf32, #tpu.memory_space<hbm>>) dst(%dma_wait3A_427 : memref<128x16xf32, #tpu.memory_space<vmem>>)
    %dma_wait3A_433 = arith.constant 512 : i32
    %dma_wait3A_434 = arith.constant 0 : i32
    %dma_wait3A_435 = tpu.memref_slice %arg6[%dma_wait3A_433, %dma_wait3A_434] : memref<6400x16xf32, #tpu.memory_space<vmem>> -> memref<128x16xf32, #tpu.memory_space<vmem>>
    %dma_wait3A_436 = arith.constant 512 : i32
    %dma_wait3A_437 = tpu.memref_slice %arg5[%dma_wait3A_436] : memref<6400xi32, #tpu.memory_space<vmem>> -> memref<128xi32, #tpu.memory_space<vmem>>
    %dma_wait3A_438 = arith.constant 0 : i32
    %dma_wait3A_439 = arith.constant 0 : i32
    %dma_wait3A_440 = tpu.memref_slice %arg2[%dma_wait3A_438, %dma_wait3A_439] : memref<1000000x16xf32, #tpu.memory_space<hbm>> -> memref<1000000x16xf32, #tpu.memory_space<hbm>>
    tpu.wait_indirect_dma semaphore(%arg7 : memref<!tpu.dma_semaphore, #tpu.memory_space<semaphore_mem>>) src(%dma_wait3A_440 : memref<1000000x16xf32, #tpu.memory_space<hbm>>) dst(%dma_wait3A_435 : memref<128x16xf32, #tpu.memory_space<vmem>>)
    %dma_wait3A_441 = arith.constant 640 : i32
    %dma_wait3A_442 = arith.constant 0 : i32
    %dma_wait3A_443 = tpu.memref_slice %arg6[%dma_wait3A_441, %dma_wait3A_442] : memref<6400x16xf32, #tpu.memory_space<vmem>> -> memref<128x16xf32, #tpu.memory_space<vmem>>
    %dma_wait3A_444 = arith.constant 640 : i32
    %dma_wait3A_445 = tpu.memref_slice %arg5[%dma_wait3A_444] : memref<6400xi32, #tpu.memory_space<vmem>> -> memref<128xi32, #tpu.memory_space<vmem>>
    %dma_wait3A_446 = arith.constant 0 : i32
    %dma_wait3A_447 = arith.constant 0 : i32
    %dma_wait3A_448 = tpu.memref_slice %arg2[%dma_wait3A_446, %dma_wait3A_447] : memref<1000000x16xf32, #tpu.memory_space<hbm>> -> memref<1000000x16xf32, #tpu.memory_space<hbm>>
    tpu.wait_indirect_dma semaphore(%arg7 : memref<!tpu.dma_semaphore, #tpu.memory_space<semaphore_mem>>) src(%dma_wait3A_448 : memref<1000000x16xf32, #tpu.memory_space<hbm>>) dst(%dma_wait3A_443 : memref<128x16xf32, #tpu.memory_space<vmem>>)
    %dma_wait3A_449 = arith.constant 768 : i32
    %dma_wait3A_450 = arith.constant 0 : i32
    %dma_wait3A_451 = tpu.memref_slice %arg6[%dma_wait3A_449, %dma_wait3A_450] : memref<6400x16xf32, #tpu.memory_space<vmem>> -> memref<128x16xf32, #tpu.memory_space<vmem>>
    %dma_wait3A_452 = arith.constant 768 : i32
    %dma_wait3A_453 = tpu.memref_slice %arg5[%dma_wait3A_452] : memref<6400xi32, #tpu.memory_space<vmem>> -> memref<128xi32, #tpu.memory_space<vmem>>
    %dma_wait3A_454 = arith.constant 0 : i32
    %dma_wait3A_455 = arith.constant 0 : i32
    %dma_wait3A_456 = tpu.memref_slice %arg2[%dma_wait3A_454, %dma_wait3A_455] : memref<1000000x16xf32, #tpu.memory_space<hbm>> -> memref<1000000x16xf32, #tpu.memory_space<hbm>>
    tpu.wait_indirect_dma semaphore(%arg7 : memref<!tpu.dma_semaphore, #tpu.memory_space<semaphore_mem>>) src(%dma_wait3A_456 : memref<1000000x16xf32, #tpu.memory_space<hbm>>) dst(%dma_wait3A_451 : memref<128x16xf32, #tpu.memory_space<vmem>>)
    %dma_wait3A_457 = arith.constant 896 : i32
    %dma_wait3A_458 = arith.constant 0 : i32
    %dma_wait3A_459 = tpu.memref_slice %arg6[%dma_wait3A_457, %dma_wait3A_458] : memref<6400x16xf32, #tpu.memory_space<vmem>> -> memref<128x16xf32, #tpu.memory_space<vmem>>
    %dma_wait3A_460 = arith.constant 896 : i32
    %dma_wait3A_461 = tpu.memref_slice %arg5[%dma_wait3A_460] : memref<6400xi32, #tpu.memory_space<vmem>> -> memref<128xi32, #tpu.memory_space<vmem>>
    %dma_wait3A_462 = arith.constant 0 : i32
    %dma_wait3A_463 = arith.constant 0 : i32
    %dma_wait3A_464 = tpu.memref_slice %arg2[%dma_wait3A_462, %dma_wait3A_463] : memref<1000000x16xf32, #tpu.memory_space<hbm>> -> memref<1000000x16xf32, #tpu.memory_space<hbm>>
    tpu.wait_indirect_dma semaphore(%arg7 : memref<!tpu.dma_semaphore, #tpu.memory_space<semaphore_mem>>) src(%dma_wait3A_464 : memref<1000000x16xf32, #tpu.memory_space<hbm>>) dst(%dma_wait3A_459 : memref<128x16xf32, #tpu.memory_space<vmem>>)
    %dma_wait3A_465 = arith.constant 1024 : i32
    %dma_wait3A_466 = arith.constant 0 : i32
    %dma_wait3A_467 = tpu.memref_slice %arg6[%dma_wait3A_465, %dma_wait3A_466] : memref<6400x16xf32, #tpu.memory_space<vmem>> -> memref<128x16xf32, #tpu.memory_space<vmem>>
    %dma_wait3A_468 = arith.constant 1024 : i32
    %dma_wait3A_469 = tpu.memref_slice %arg5[%dma_wait3A_468] : memref<6400xi32, #tpu.memory_space<vmem>> -> memref<128xi32, #tpu.memory_space<vmem>>
    %dma_wait3A_470 = arith.constant 0 : i32
    %dma_wait3A_471 = arith.constant 0 : i32
    %dma_wait3A_472 = tpu.memref_slice %arg2[%dma_wait3A_470, %dma_wait3A_471] : memref<1000000x16xf32, #tpu.memory_space<hbm>> -> memref<1000000x16xf32, #tpu.memory_space<hbm>>
    tpu.wait_indirect_dma semaphore(%arg7 : memref<!tpu.dma_semaphore, #tpu.memory_space<semaphore_mem>>) src(%dma_wait3A_472 : memref<1000000x16xf32, #tpu.memory_space<hbm>>) dst(%dma_wait3A_467 : memref<128x16xf32, #tpu.memory_space<vmem>>)
    %dma_wait3A_473 = arith.constant 1152 : i32
    %dma_wait3A_474 = arith.constant 0 : i32
    %dma_wait3A_475 = tpu.memref_slice %arg6[%dma_wait3A_473, %dma_wait3A_474] : memref<6400x16xf32, #tpu.memory_space<vmem>> -> memref<128x16xf32, #tpu.memory_space<vmem>>
    %dma_wait3A_476 = arith.constant 1152 : i32
    %dma_wait3A_477 = tpu.memref_slice %arg5[%dma_wait3A_476] : memref<6400xi32, #tpu.memory_space<vmem>> -> memref<128xi32, #tpu.memory_space<vmem>>
    %dma_wait3A_478 = arith.constant 0 : i32
    %dma_wait3A_479 = arith.constant 0 : i32
    %dma_wait3A_480 = tpu.memref_slice %arg2[%dma_wait3A_478, %dma_wait3A_479] : memref<1000000x16xf32, #tpu.memory_space<hbm>> -> memref<1000000x16xf32, #tpu.memory_space<hbm>>
    tpu.wait_indirect_dma semaphore(%arg7 : memref<!tpu.dma_semaphore, #tpu.memory_space<semaphore_mem>>) src(%dma_wait3A_480 : memref<1000000x16xf32, #tpu.memory_space<hbm>>) dst(%dma_wait3A_475 : memref<128x16xf32, #tpu.memory_space<vmem>>)
    %dma_wait3A_481 = arith.constant 1280 : i32
    %dma_wait3A_482 = arith.constant 0 : i32
    %dma_wait3A_483 = tpu.memref_slice %arg6[%dma_wait3A_481, %dma_wait3A_482] : memref<6400x16xf32, #tpu.memory_space<vmem>> -> memref<128x16xf32, #tpu.memory_space<vmem>>
    %dma_wait3A_484 = arith.constant 1280 : i32
    %dma_wait3A_485 = tpu.memref_slice %arg5[%dma_wait3A_484] : memref<6400xi32, #tpu.memory_space<vmem>> -> memref<128xi32, #tpu.memory_space<vmem>>
    %dma_wait3A_486 = arith.constant 0 : i32
    %dma_wait3A_487 = arith.constant 0 : i32
    %dma_wait3A_488 = tpu.memref_slice %arg2[%dma_wait3A_486, %dma_wait3A_487] : memref<1000000x16xf32, #tpu.memory_space<hbm>> -> memref<1000000x16xf32, #tpu.memory_space<hbm>>
    tpu.wait_indirect_dma semaphore(%arg7 : memref<!tpu.dma_semaphore, #tpu.memory_space<semaphore_mem>>) src(%dma_wait3A_488 : memref<1000000x16xf32, #tpu.memory_space<hbm>>) dst(%dma_wait3A_483 : memref<128x16xf32, #tpu.memory_space<vmem>>)
    %dma_wait3A_489 = arith.constant 1408 : i32
    %dma_wait3A_490 = arith.constant 0 : i32
    %dma_wait3A_491 = tpu.memref_slice %arg6[%dma_wait3A_489, %dma_wait3A_490] : memref<6400x16xf32, #tpu.memory_space<vmem>> -> memref<128x16xf32, #tpu.memory_space<vmem>>
    %dma_wait3A_492 = arith.constant 1408 : i32
    %dma_wait3A_493 = tpu.memref_slice %arg5[%dma_wait3A_492] : memref<6400xi32, #tpu.memory_space<vmem>> -> memref<128xi32, #tpu.memory_space<vmem>>
    %dma_wait3A_494 = arith.constant 0 : i32
    %dma_wait3A_495 = arith.constant 0 : i32
    %dma_wait3A_496 = tpu.memref_slice %arg2[%dma_wait3A_494, %dma_wait3A_495] : memref<1000000x16xf32, #tpu.memory_space<hbm>> -> memref<1000000x16xf32, #tpu.memory_space<hbm>>
    tpu.wait_indirect_dma semaphore(%arg7 : memref<!tpu.dma_semaphore, #tpu.memory_space<semaphore_mem>>) src(%dma_wait3A_496 : memref<1000000x16xf32, #tpu.memory_space<hbm>>) dst(%dma_wait3A_491 : memref<128x16xf32, #tpu.memory_space<vmem>>)
    %dma_wait3A_497 = arith.constant 1536 : i32
    %dma_wait3A_498 = arith.constant 0 : i32
    %dma_wait3A_499 = tpu.memref_slice %arg6[%dma_wait3A_497, %dma_wait3A_498] : memref<6400x16xf32, #tpu.memory_space<vmem>> -> memref<128x16xf32, #tpu.memory_space<vmem>>
    %dma_wait3A_500 = arith.constant 1536 : i32
    %dma_wait3A_501 = tpu.memref_slice %arg5[%dma_wait3A_500] : memref<6400xi32, #tpu.memory_space<vmem>> -> memref<128xi32, #tpu.memory_space<vmem>>
    %dma_wait3A_502 = arith.constant 0 : i32
    %dma_wait3A_503 = arith.constant 0 : i32
    %dma_wait3A_504 = tpu.memref_slice %arg2[%dma_wait3A_502, %dma_wait3A_503] : memref<1000000x16xf32, #tpu.memory_space<hbm>> -> memref<1000000x16xf32, #tpu.memory_space<hbm>>
    tpu.wait_indirect_dma semaphore(%arg7 : memref<!tpu.dma_semaphore, #tpu.memory_space<semaphore_mem>>) src(%dma_wait3A_504 : memref<1000000x16xf32, #tpu.memory_space<hbm>>) dst(%dma_wait3A_499 : memref<128x16xf32, #tpu.memory_space<vmem>>)
    %dma_wait3A_505 = arith.constant 1664 : i32
    %dma_wait3A_506 = arith.constant 0 : i32
    %dma_wait3A_507 = tpu.memref_slice %arg6[%dma_wait3A_505, %dma_wait3A_506] : memref<6400x16xf32, #tpu.memory_space<vmem>> -> memref<128x16xf32, #tpu.memory_space<vmem>>
    %dma_wait3A_508 = arith.constant 1664 : i32
    %dma_wait3A_509 = tpu.memref_slice %arg5[%dma_wait3A_508] : memref<6400xi32, #tpu.memory_space<vmem>> -> memref<128xi32, #tpu.memory_space<vmem>>
    %dma_wait3A_510 = arith.constant 0 : i32
    %dma_wait3A_511 = arith.constant 0 : i32
    %dma_wait3A_512 = tpu.memref_slice %arg2[%dma_wait3A_510, %dma_wait3A_511] : memref<1000000x16xf32, #tpu.memory_space<hbm>> -> memref<1000000x16xf32, #tpu.memory_space<hbm>>
    tpu.wait_indirect_dma semaphore(%arg7 : memref<!tpu.dma_semaphore, #tpu.memory_space<semaphore_mem>>) src(%dma_wait3A_512 : memref<1000000x16xf32, #tpu.memory_space<hbm>>) dst(%dma_wait3A_507 : memref<128x16xf32, #tpu.memory_space<vmem>>)
    %dma_wait3A_513 = arith.constant 1792 : i32
    %dma_wait3A_514 = arith.constant 0 : i32
    %dma_wait3A_515 = tpu.memref_slice %arg6[%dma_wait3A_513, %dma_wait3A_514] : memref<6400x16xf32, #tpu.memory_space<vmem>> -> memref<128x16xf32, #tpu.memory_space<vmem>>
    %dma_wait3A_516 = arith.constant 1792 : i32
    %dma_wait3A_517 = tpu.memref_slice %arg5[%dma_wait3A_516] : memref<6400xi32, #tpu.memory_space<vmem>> -> memref<128xi32, #tpu.memory_space<vmem>>
    %dma_wait3A_518 = arith.constant 0 : i32
    %dma_wait3A_519 = arith.constant 0 : i32
    %dma_wait3A_520 = tpu.memref_slice %arg2[%dma_wait3A_518, %dma_wait3A_519] : memref<1000000x16xf32, #tpu.memory_space<hbm>> -> memref<1000000x16xf32, #tpu.memory_space<hbm>>
    tpu.wait_indirect_dma semaphore(%arg7 : memref<!tpu.dma_semaphore, #tpu.memory_space<semaphore_mem>>) src(%dma_wait3A_520 : memref<1000000x16xf32, #tpu.memory_space<hbm>>) dst(%dma_wait3A_515 : memref<128x16xf32, #tpu.memory_space<vmem>>)
    %dma_wait3A_521 = arith.constant 1920 : i32
    %dma_wait3A_522 = arith.constant 0 : i32
    %dma_wait3A_523 = tpu.memref_slice %arg6[%dma_wait3A_521, %dma_wait3A_522] : memref<6400x16xf32, #tpu.memory_space<vmem>> -> memref<128x16xf32, #tpu.memory_space<vmem>>
    %dma_wait3A_524 = arith.constant 1920 : i32
    %dma_wait3A_525 = tpu.memref_slice %arg5[%dma_wait3A_524] : memref<6400xi32, #tpu.memory_space<vmem>> -> memref<128xi32, #tpu.memory_space<vmem>>
    %dma_wait3A_526 = arith.constant 0 : i32
    %dma_wait3A_527 = arith.constant 0 : i32
    %dma_wait3A_528 = tpu.memref_slice %arg2[%dma_wait3A_526, %dma_wait3A_527] : memref<1000000x16xf32, #tpu.memory_space<hbm>> -> memref<1000000x16xf32, #tpu.memory_space<hbm>>
    tpu.wait_indirect_dma semaphore(%arg7 : memref<!tpu.dma_semaphore, #tpu.memory_space<semaphore_mem>>) src(%dma_wait3A_528 : memref<1000000x16xf32, #tpu.memory_space<hbm>>) dst(%dma_wait3A_523 : memref<128x16xf32, #tpu.memory_space<vmem>>)
    %dma_wait3A_529 = arith.constant 2048 : i32
    %dma_wait3A_530 = arith.constant 0 : i32
    %dma_wait3A_531 = tpu.memref_slice %arg6[%dma_wait3A_529, %dma_wait3A_530] : memref<6400x16xf32, #tpu.memory_space<vmem>> -> memref<128x16xf32, #tpu.memory_space<vmem>>
    %dma_wait3A_532 = arith.constant 2048 : i32
    %dma_wait3A_533 = tpu.memref_slice %arg5[%dma_wait3A_532] : memref<6400xi32, #tpu.memory_space<vmem>> -> memref<128xi32, #tpu.memory_space<vmem>>
    %dma_wait3A_534 = arith.constant 0 : i32
    %dma_wait3A_535 = arith.constant 0 : i32
    %dma_wait3A_536 = tpu.memref_slice %arg2[%dma_wait3A_534, %dma_wait3A_535] : memref<1000000x16xf32, #tpu.memory_space<hbm>> -> memref<1000000x16xf32, #tpu.memory_space<hbm>>
    tpu.wait_indirect_dma semaphore(%arg7 : memref<!tpu.dma_semaphore, #tpu.memory_space<semaphore_mem>>) src(%dma_wait3A_536 : memref<1000000x16xf32, #tpu.memory_space<hbm>>) dst(%dma_wait3A_531 : memref<128x16xf32, #tpu.memory_space<vmem>>)
    %dma_wait3A_537 = arith.constant 2176 : i32
    %dma_wait3A_538 = arith.constant 0 : i32
    %dma_wait3A_539 = tpu.memref_slice %arg6[%dma_wait3A_537, %dma_wait3A_538] : memref<6400x16xf32, #tpu.memory_space<vmem>> -> memref<128x16xf32, #tpu.memory_space<vmem>>
    %dma_wait3A_540 = arith.constant 2176 : i32
    %dma_wait3A_541 = tpu.memref_slice %arg5[%dma_wait3A_540] : memref<6400xi32, #tpu.memory_space<vmem>> -> memref<128xi32, #tpu.memory_space<vmem>>
    %dma_wait3A_542 = arith.constant 0 : i32
    %dma_wait3A_543 = arith.constant 0 : i32
    %dma_wait3A_544 = tpu.memref_slice %arg2[%dma_wait3A_542, %dma_wait3A_543] : memref<1000000x16xf32, #tpu.memory_space<hbm>> -> memref<1000000x16xf32, #tpu.memory_space<hbm>>
    tpu.wait_indirect_dma semaphore(%arg7 : memref<!tpu.dma_semaphore, #tpu.memory_space<semaphore_mem>>) src(%dma_wait3A_544 : memref<1000000x16xf32, #tpu.memory_space<hbm>>) dst(%dma_wait3A_539 : memref<128x16xf32, #tpu.memory_space<vmem>>)
    %dma_wait3A_545 = arith.constant 2304 : i32
    %dma_wait3A_546 = arith.constant 0 : i32
    %dma_wait3A_547 = tpu.memref_slice %arg6[%dma_wait3A_545, %dma_wait3A_546] : memref<6400x16xf32, #tpu.memory_space<vmem>> -> memref<128x16xf32, #tpu.memory_space<vmem>>
    %dma_wait3A_548 = arith.constant 2304 : i32
    %dma_wait3A_549 = tpu.memref_slice %arg5[%dma_wait3A_548] : memref<6400xi32, #tpu.memory_space<vmem>> -> memref<128xi32, #tpu.memory_space<vmem>>
    %dma_wait3A_550 = arith.constant 0 : i32
    %dma_wait3A_551 = arith.constant 0 : i32
    %dma_wait3A_552 = tpu.memref_slice %arg2[%dma_wait3A_550, %dma_wait3A_551] : memref<1000000x16xf32, #tpu.memory_space<hbm>> -> memref<1000000x16xf32, #tpu.memory_space<hbm>>
    tpu.wait_indirect_dma semaphore(%arg7 : memref<!tpu.dma_semaphore, #tpu.memory_space<semaphore_mem>>) src(%dma_wait3A_552 : memref<1000000x16xf32, #tpu.memory_space<hbm>>) dst(%dma_wait3A_547 : memref<128x16xf32, #tpu.memory_space<vmem>>)
    %dma_wait3A_553 = arith.constant 2432 : i32
    %dma_wait3A_554 = arith.constant 0 : i32
    %dma_wait3A_555 = tpu.memref_slice %arg6[%dma_wait3A_553, %dma_wait3A_554] : memref<6400x16xf32, #tpu.memory_space<vmem>> -> memref<128x16xf32, #tpu.memory_space<vmem>>
    %dma_wait3A_556 = arith.constant 2432 : i32
    %dma_wait3A_557 = tpu.memref_slice %arg5[%dma_wait3A_556] : memref<6400xi32, #tpu.memory_space<vmem>> -> memref<128xi32, #tpu.memory_space<vmem>>
    %dma_wait3A_558 = arith.constant 0 : i32
    %dma_wait3A_559 = arith.constant 0 : i32
    %dma_wait3A_560 = tpu.memref_slice %arg2[%dma_wait3A_558, %dma_wait3A_559] : memref<1000000x16xf32, #tpu.memory_space<hbm>> -> memref<1000000x16xf32, #tpu.memory_space<hbm>>
    tpu.wait_indirect_dma semaphore(%arg7 : memref<!tpu.dma_semaphore, #tpu.memory_space<semaphore_mem>>) src(%dma_wait3A_560 : memref<1000000x16xf32, #tpu.memory_space<hbm>>) dst(%dma_wait3A_555 : memref<128x16xf32, #tpu.memory_space<vmem>>)
    %dma_wait3A_561 = arith.constant 2560 : i32
    %dma_wait3A_562 = arith.constant 0 : i32
    %dma_wait3A_563 = tpu.memref_slice %arg6[%dma_wait3A_561, %dma_wait3A_562] : memref<6400x16xf32, #tpu.memory_space<vmem>> -> memref<128x16xf32, #tpu.memory_space<vmem>>
    %dma_wait3A_564 = arith.constant 2560 : i32
    %dma_wait3A_565 = tpu.memref_slice %arg5[%dma_wait3A_564] : memref<6400xi32, #tpu.memory_space<vmem>> -> memref<128xi32, #tpu.memory_space<vmem>>
    %dma_wait3A_566 = arith.constant 0 : i32
    %dma_wait3A_567 = arith.constant 0 : i32
    %dma_wait3A_568 = tpu.memref_slice %arg2[%dma_wait3A_566, %dma_wait3A_567] : memref<1000000x16xf32, #tpu.memory_space<hbm>> -> memref<1000000x16xf32, #tpu.memory_space<hbm>>
    tpu.wait_indirect_dma semaphore(%arg7 : memref<!tpu.dma_semaphore, #tpu.memory_space<semaphore_mem>>) src(%dma_wait3A_568 : memref<1000000x16xf32, #tpu.memory_space<hbm>>) dst(%dma_wait3A_563 : memref<128x16xf32, #tpu.memory_space<vmem>>)
    %dma_wait3A_569 = arith.constant 2688 : i32
    %dma_wait3A_570 = arith.constant 0 : i32
    %dma_wait3A_571 = tpu.memref_slice %arg6[%dma_wait3A_569, %dma_wait3A_570] : memref<6400x16xf32, #tpu.memory_space<vmem>> -> memref<128x16xf32, #tpu.memory_space<vmem>>
    %dma_wait3A_572 = arith.constant 2688 : i32
    %dma_wait3A_573 = tpu.memref_slice %arg5[%dma_wait3A_572] : memref<6400xi32, #tpu.memory_space<vmem>> -> memref<128xi32, #tpu.memory_space<vmem>>
    %dma_wait3A_574 = arith.constant 0 : i32
    %dma_wait3A_575 = arith.constant 0 : i32
    %dma_wait3A_576 = tpu.memref_slice %arg2[%dma_wait3A_574, %dma_wait3A_575] : memref<1000000x16xf32, #tpu.memory_space<hbm>> -> memref<1000000x16xf32, #tpu.memory_space<hbm>>
    tpu.wait_indirect_dma semaphore(%arg7 : memref<!tpu.dma_semaphore, #tpu.memory_space<semaphore_mem>>) src(%dma_wait3A_576 : memref<1000000x16xf32, #tpu.memory_space<hbm>>) dst(%dma_wait3A_571 : memref<128x16xf32, #tpu.memory_space<vmem>>)
    %dma_wait3A_577 = arith.constant 2816 : i32
    %dma_wait3A_578 = arith.constant 0 : i32
    %dma_wait3A_579 = tpu.memref_slice %arg6[%dma_wait3A_577, %dma_wait3A_578] : memref<6400x16xf32, #tpu.memory_space<vmem>> -> memref<128x16xf32, #tpu.memory_space<vmem>>
    %dma_wait3A_580 = arith.constant 2816 : i32
    %dma_wait3A_581 = tpu.memref_slice %arg5[%dma_wait3A_580] : memref<6400xi32, #tpu.memory_space<vmem>> -> memref<128xi32, #tpu.memory_space<vmem>>
    %dma_wait3A_582 = arith.constant 0 : i32
    %dma_wait3A_583 = arith.constant 0 : i32
    %dma_wait3A_584 = tpu.memref_slice %arg2[%dma_wait3A_582, %dma_wait3A_583] : memref<1000000x16xf32, #tpu.memory_space<hbm>> -> memref<1000000x16xf32, #tpu.memory_space<hbm>>
    tpu.wait_indirect_dma semaphore(%arg7 : memref<!tpu.dma_semaphore, #tpu.memory_space<semaphore_mem>>) src(%dma_wait3A_584 : memref<1000000x16xf32, #tpu.memory_space<hbm>>) dst(%dma_wait3A_579 : memref<128x16xf32, #tpu.memory_space<vmem>>)
    %dma_wait3A_585 = arith.constant 2944 : i32
    %dma_wait3A_586 = arith.constant 0 : i32
    %dma_wait3A_587 = tpu.memref_slice %arg6[%dma_wait3A_585, %dma_wait3A_586] : memref<6400x16xf32, #tpu.memory_space<vmem>> -> memref<128x16xf32, #tpu.memory_space<vmem>>
    %dma_wait3A_588 = arith.constant 2944 : i32
    %dma_wait3A_589 = tpu.memref_slice %arg5[%dma_wait3A_588] : memref<6400xi32, #tpu.memory_space<vmem>> -> memref<128xi32, #tpu.memory_space<vmem>>
    %dma_wait3A_590 = arith.constant 0 : i32
    %dma_wait3A_591 = arith.constant 0 : i32
    %dma_wait3A_592 = tpu.memref_slice %arg2[%dma_wait3A_590, %dma_wait3A_591] : memref<1000000x16xf32, #tpu.memory_space<hbm>> -> memref<1000000x16xf32, #tpu.memory_space<hbm>>
    tpu.wait_indirect_dma semaphore(%arg7 : memref<!tpu.dma_semaphore, #tpu.memory_space<semaphore_mem>>) src(%dma_wait3A_592 : memref<1000000x16xf32, #tpu.memory_space<hbm>>) dst(%dma_wait3A_587 : memref<128x16xf32, #tpu.memory_space<vmem>>)
    %dma_wait3A_593 = arith.constant 3072 : i32
    %dma_wait3A_594 = arith.constant 0 : i32
    %dma_wait3A_595 = tpu.memref_slice %arg6[%dma_wait3A_593, %dma_wait3A_594] : memref<6400x16xf32, #tpu.memory_space<vmem>> -> memref<128x16xf32, #tpu.memory_space<vmem>>
    %dma_wait3A_596 = arith.constant 3072 : i32
    %dma_wait3A_597 = tpu.memref_slice %arg5[%dma_wait3A_596] : memref<6400xi32, #tpu.memory_space<vmem>> -> memref<128xi32, #tpu.memory_space<vmem>>
    %dma_wait3A_598 = arith.constant 0 : i32
    %dma_wait3A_599 = arith.constant 0 : i32
    %dma_wait3A_600 = tpu.memref_slice %arg2[%dma_wait3A_598, %dma_wait3A_599] : memref<1000000x16xf32, #tpu.memory_space<hbm>> -> memref<1000000x16xf32, #tpu.memory_space<hbm>>
    tpu.wait_indirect_dma semaphore(%arg7 : memref<!tpu.dma_semaphore, #tpu.memory_space<semaphore_mem>>) src(%dma_wait3A_600 : memref<1000000x16xf32, #tpu.memory_space<hbm>>) dst(%dma_wait3A_595 : memref<128x16xf32, #tpu.memory_space<vmem>>)
    %dma_wait3A_601 = arith.constant 3200 : i32
    %dma_wait3A_602 = arith.constant 0 : i32
    %dma_wait3A_603 = tpu.memref_slice %arg6[%dma_wait3A_601, %dma_wait3A_602] : memref<6400x16xf32, #tpu.memory_space<vmem>> -> memref<128x16xf32, #tpu.memory_space<vmem>>
    %dma_wait3A_604 = arith.constant 3200 : i32
    %dma_wait3A_605 = tpu.memref_slice %arg5[%dma_wait3A_604] : memref<6400xi32, #tpu.memory_space<vmem>> -> memref<128xi32, #tpu.memory_space<vmem>>
    %dma_wait3A_606 = arith.constant 0 : i32
    %dma_wait3A_607 = arith.constant 0 : i32
    %dma_wait3A_608 = tpu.memref_slice %arg2[%dma_wait3A_606, %dma_wait3A_607] : memref<1000000x16xf32, #tpu.memory_space<hbm>> -> memref<1000000x16xf32, #tpu.memory_space<hbm>>
    tpu.wait_indirect_dma semaphore(%arg7 : memref<!tpu.dma_semaphore, #tpu.memory_space<semaphore_mem>>) src(%dma_wait3A_608 : memref<1000000x16xf32, #tpu.memory_space<hbm>>) dst(%dma_wait3A_603 : memref<128x16xf32, #tpu.memory_space<vmem>>)
    %dma_wait3A_609 = arith.constant 3328 : i32
    %dma_wait3A_610 = arith.constant 0 : i32
    %dma_wait3A_611 = tpu.memref_slice %arg6[%dma_wait3A_609, %dma_wait3A_610] : memref<6400x16xf32, #tpu.memory_space<vmem>> -> memref<128x16xf32, #tpu.memory_space<vmem>>
    %dma_wait3A_612 = arith.constant 3328 : i32
    %dma_wait3A_613 = tpu.memref_slice %arg5[%dma_wait3A_612] : memref<6400xi32, #tpu.memory_space<vmem>> -> memref<128xi32, #tpu.memory_space<vmem>>
    %dma_wait3A_614 = arith.constant 0 : i32
    %dma_wait3A_615 = arith.constant 0 : i32
    %dma_wait3A_616 = tpu.memref_slice %arg2[%dma_wait3A_614, %dma_wait3A_615] : memref<1000000x16xf32, #tpu.memory_space<hbm>> -> memref<1000000x16xf32, #tpu.memory_space<hbm>>
    tpu.wait_indirect_dma semaphore(%arg7 : memref<!tpu.dma_semaphore, #tpu.memory_space<semaphore_mem>>) src(%dma_wait3A_616 : memref<1000000x16xf32, #tpu.memory_space<hbm>>) dst(%dma_wait3A_611 : memref<128x16xf32, #tpu.memory_space<vmem>>)
    %dma_wait3A_617 = arith.constant 3456 : i32
    %dma_wait3A_618 = arith.constant 0 : i32
    %dma_wait3A_619 = tpu.memref_slice %arg6[%dma_wait3A_617, %dma_wait3A_618] : memref<6400x16xf32, #tpu.memory_space<vmem>> -> memref<128x16xf32, #tpu.memory_space<vmem>>
    %dma_wait3A_620 = arith.constant 3456 : i32
    %dma_wait3A_621 = tpu.memref_slice %arg5[%dma_wait3A_620] : memref<6400xi32, #tpu.memory_space<vmem>> -> memref<128xi32, #tpu.memory_space<vmem>>
    %dma_wait3A_622 = arith.constant 0 : i32
    %dma_wait3A_623 = arith.constant 0 : i32
    %dma_wait3A_624 = tpu.memref_slice %arg2[%dma_wait3A_622, %dma_wait3A_623] : memref<1000000x16xf32, #tpu.memory_space<hbm>> -> memref<1000000x16xf32, #tpu.memory_space<hbm>>
    tpu.wait_indirect_dma semaphore(%arg7 : memref<!tpu.dma_semaphore, #tpu.memory_space<semaphore_mem>>) src(%dma_wait3A_624 : memref<1000000x16xf32, #tpu.memory_space<hbm>>) dst(%dma_wait3A_619 : memref<128x16xf32, #tpu.memory_space<vmem>>)
    %dma_wait3A_625 = arith.constant 3584 : i32
    %dma_wait3A_626 = arith.constant 0 : i32
    %dma_wait3A_627 = tpu.memref_slice %arg6[%dma_wait3A_625, %dma_wait3A_626] : memref<6400x16xf32, #tpu.memory_space<vmem>> -> memref<128x16xf32, #tpu.memory_space<vmem>>
    %dma_wait3A_628 = arith.constant 3584 : i32
    %dma_wait3A_629 = tpu.memref_slice %arg5[%dma_wait3A_628] : memref<6400xi32, #tpu.memory_space<vmem>> -> memref<128xi32, #tpu.memory_space<vmem>>
    %dma_wait3A_630 = arith.constant 0 : i32
    %dma_wait3A_631 = arith.constant 0 : i32
    %dma_wait3A_632 = tpu.memref_slice %arg2[%dma_wait3A_630, %dma_wait3A_631] : memref<1000000x16xf32, #tpu.memory_space<hbm>> -> memref<1000000x16xf32, #tpu.memory_space<hbm>>
    tpu.wait_indirect_dma semaphore(%arg7 : memref<!tpu.dma_semaphore, #tpu.memory_space<semaphore_mem>>) src(%dma_wait3A_632 : memref<1000000x16xf32, #tpu.memory_space<hbm>>) dst(%dma_wait3A_627 : memref<128x16xf32, #tpu.memory_space<vmem>>)
    %dma_wait3A_633 = arith.constant 3712 : i32
    %dma_wait3A_634 = arith.constant 0 : i32
    %dma_wait3A_635 = tpu.memref_slice %arg6[%dma_wait3A_633, %dma_wait3A_634] : memref<6400x16xf32, #tpu.memory_space<vmem>> -> memref<128x16xf32, #tpu.memory_space<vmem>>
    %dma_wait3A_636 = arith.constant 3712 : i32
    %dma_wait3A_637 = tpu.memref_slice %arg5[%dma_wait3A_636] : memref<6400xi32, #tpu.memory_space<vmem>> -> memref<128xi32, #tpu.memory_space<vmem>>
    %dma_wait3A_638 = arith.constant 0 : i32
    %dma_wait3A_639 = arith.constant 0 : i32
    %dma_wait3A_640 = tpu.memref_slice %arg2[%dma_wait3A_638, %dma_wait3A_639] : memref<1000000x16xf32, #tpu.memory_space<hbm>> -> memref<1000000x16xf32, #tpu.memory_space<hbm>>
    tpu.wait_indirect_dma semaphore(%arg7 : memref<!tpu.dma_semaphore, #tpu.memory_space<semaphore_mem>>) src(%dma_wait3A_640 : memref<1000000x16xf32, #tpu.memory_space<hbm>>) dst(%dma_wait3A_635 : memref<128x16xf32, #tpu.memory_space<vmem>>)
    %dma_wait3A_641 = arith.constant 3840 : i32
    %dma_wait3A_642 = arith.constant 0 : i32
    %dma_wait3A_643 = tpu.memref_slice %arg6[%dma_wait3A_641, %dma_wait3A_642] : memref<6400x16xf32, #tpu.memory_space<vmem>> -> memref<128x16xf32, #tpu.memory_space<vmem>>
    %dma_wait3A_644 = arith.constant 3840 : i32
    %dma_wait3A_645 = tpu.memref_slice %arg5[%dma_wait3A_644] : memref<6400xi32, #tpu.memory_space<vmem>> -> memref<128xi32, #tpu.memory_space<vmem>>
    %dma_wait3A_646 = arith.constant 0 : i32
    %dma_wait3A_647 = arith.constant 0 : i32
    %dma_wait3A_648 = tpu.memref_slice %arg2[%dma_wait3A_646, %dma_wait3A_647] : memref<1000000x16xf32, #tpu.memory_space<hbm>> -> memref<1000000x16xf32, #tpu.memory_space<hbm>>
    tpu.wait_indirect_dma semaphore(%arg7 : memref<!tpu.dma_semaphore, #tpu.memory_space<semaphore_mem>>) src(%dma_wait3A_648 : memref<1000000x16xf32, #tpu.memory_space<hbm>>) dst(%dma_wait3A_643 : memref<128x16xf32, #tpu.memory_space<vmem>>)
    %dma_wait3A_649 = arith.constant 3968 : i32
    %dma_wait3A_650 = arith.constant 0 : i32
    %dma_wait3A_651 = tpu.memref_slice %arg6[%dma_wait3A_649, %dma_wait3A_650] : memref<6400x16xf32, #tpu.memory_space<vmem>> -> memref<128x16xf32, #tpu.memory_space<vmem>>
    %dma_wait3A_652 = arith.constant 3968 : i32
    %dma_wait3A_653 = tpu.memref_slice %arg5[%dma_wait3A_652] : memref<6400xi32, #tpu.memory_space<vmem>> -> memref<128xi32, #tpu.memory_space<vmem>>
    %dma_wait3A_654 = arith.constant 0 : i32
    %dma_wait3A_655 = arith.constant 0 : i32
    %dma_wait3A_656 = tpu.memref_slice %arg2[%dma_wait3A_654, %dma_wait3A_655] : memref<1000000x16xf32, #tpu.memory_space<hbm>> -> memref<1000000x16xf32, #tpu.memory_space<hbm>>
    tpu.wait_indirect_dma semaphore(%arg7 : memref<!tpu.dma_semaphore, #tpu.memory_space<semaphore_mem>>) src(%dma_wait3A_656 : memref<1000000x16xf32, #tpu.memory_space<hbm>>) dst(%dma_wait3A_651 : memref<128x16xf32, #tpu.memory_space<vmem>>)
    %dma_wait3A_657 = arith.constant 4096 : i32
    %dma_wait3A_658 = arith.constant 0 : i32
    %dma_wait3A_659 = tpu.memref_slice %arg6[%dma_wait3A_657, %dma_wait3A_658] : memref<6400x16xf32, #tpu.memory_space<vmem>> -> memref<128x16xf32, #tpu.memory_space<vmem>>
    %dma_wait3A_660 = arith.constant 4096 : i32
    %dma_wait3A_661 = tpu.memref_slice %arg5[%dma_wait3A_660] : memref<6400xi32, #tpu.memory_space<vmem>> -> memref<128xi32, #tpu.memory_space<vmem>>
    %dma_wait3A_662 = arith.constant 0 : i32
    %dma_wait3A_663 = arith.constant 0 : i32
    %dma_wait3A_664 = tpu.memref_slice %arg2[%dma_wait3A_662, %dma_wait3A_663] : memref<1000000x16xf32, #tpu.memory_space<hbm>> -> memref<1000000x16xf32, #tpu.memory_space<hbm>>
    tpu.wait_indirect_dma semaphore(%arg7 : memref<!tpu.dma_semaphore, #tpu.memory_space<semaphore_mem>>) src(%dma_wait3A_664 : memref<1000000x16xf32, #tpu.memory_space<hbm>>) dst(%dma_wait3A_659 : memref<128x16xf32, #tpu.memory_space<vmem>>)
    %dma_wait3A_665 = arith.constant 4224 : i32
    %dma_wait3A_666 = arith.constant 0 : i32
    %dma_wait3A_667 = tpu.memref_slice %arg6[%dma_wait3A_665, %dma_wait3A_666] : memref<6400x16xf32, #tpu.memory_space<vmem>> -> memref<128x16xf32, #tpu.memory_space<vmem>>
    %dma_wait3A_668 = arith.constant 4224 : i32
    %dma_wait3A_669 = tpu.memref_slice %arg5[%dma_wait3A_668] : memref<6400xi32, #tpu.memory_space<vmem>> -> memref<128xi32, #tpu.memory_space<vmem>>
    %dma_wait3A_670 = arith.constant 0 : i32
    %dma_wait3A_671 = arith.constant 0 : i32
    %dma_wait3A_672 = tpu.memref_slice %arg2[%dma_wait3A_670, %dma_wait3A_671] : memref<1000000x16xf32, #tpu.memory_space<hbm>> -> memref<1000000x16xf32, #tpu.memory_space<hbm>>
    tpu.wait_indirect_dma semaphore(%arg7 : memref<!tpu.dma_semaphore, #tpu.memory_space<semaphore_mem>>) src(%dma_wait3A_672 : memref<1000000x16xf32, #tpu.memory_space<hbm>>) dst(%dma_wait3A_667 : memref<128x16xf32, #tpu.memory_space<vmem>>)
    %dma_wait3A_673 = arith.constant 4352 : i32
    %dma_wait3A_674 = arith.constant 0 : i32
    %dma_wait3A_675 = tpu.memref_slice %arg6[%dma_wait3A_673, %dma_wait3A_674] : memref<6400x16xf32, #tpu.memory_space<vmem>> -> memref<128x16xf32, #tpu.memory_space<vmem>>
    %dma_wait3A_676 = arith.constant 4352 : i32
    %dma_wait3A_677 = tpu.memref_slice %arg5[%dma_wait3A_676] : memref<6400xi32, #tpu.memory_space<vmem>> -> memref<128xi32, #tpu.memory_space<vmem>>
    %dma_wait3A_678 = arith.constant 0 : i32
    %dma_wait3A_679 = arith.constant 0 : i32
    %dma_wait3A_680 = tpu.memref_slice %arg2[%dma_wait3A_678, %dma_wait3A_679] : memref<1000000x16xf32, #tpu.memory_space<hbm>> -> memref<1000000x16xf32, #tpu.memory_space<hbm>>
    tpu.wait_indirect_dma semaphore(%arg7 : memref<!tpu.dma_semaphore, #tpu.memory_space<semaphore_mem>>) src(%dma_wait3A_680 : memref<1000000x16xf32, #tpu.memory_space<hbm>>) dst(%dma_wait3A_675 : memref<128x16xf32, #tpu.memory_space<vmem>>)
    %dma_wait3A_681 = arith.constant 4480 : i32
    %dma_wait3A_682 = arith.constant 0 : i32
    %dma_wait3A_683 = tpu.memref_slice %arg6[%dma_wait3A_681, %dma_wait3A_682] : memref<6400x16xf32, #tpu.memory_space<vmem>> -> memref<128x16xf32, #tpu.memory_space<vmem>>
    %dma_wait3A_684 = arith.constant 4480 : i32
    %dma_wait3A_685 = tpu.memref_slice %arg5[%dma_wait3A_684] : memref<6400xi32, #tpu.memory_space<vmem>> -> memref<128xi32, #tpu.memory_space<vmem>>
    %dma_wait3A_686 = arith.constant 0 : i32
    %dma_wait3A_687 = arith.constant 0 : i32
    %dma_wait3A_688 = tpu.memref_slice %arg2[%dma_wait3A_686, %dma_wait3A_687] : memref<1000000x16xf32, #tpu.memory_space<hbm>> -> memref<1000000x16xf32, #tpu.memory_space<hbm>>
    tpu.wait_indirect_dma semaphore(%arg7 : memref<!tpu.dma_semaphore, #tpu.memory_space<semaphore_mem>>) src(%dma_wait3A_688 : memref<1000000x16xf32, #tpu.memory_space<hbm>>) dst(%dma_wait3A_683 : memref<128x16xf32, #tpu.memory_space<vmem>>)
    %dma_wait3A_689 = arith.constant 4608 : i32
    %dma_wait3A_690 = arith.constant 0 : i32
    %dma_wait3A_691 = tpu.memref_slice %arg6[%dma_wait3A_689, %dma_wait3A_690] : memref<6400x16xf32, #tpu.memory_space<vmem>> -> memref<128x16xf32, #tpu.memory_space<vmem>>
    %dma_wait3A_692 = arith.constant 4608 : i32
    %dma_wait3A_693 = tpu.memref_slice %arg5[%dma_wait3A_692] : memref<6400xi32, #tpu.memory_space<vmem>> -> memref<128xi32, #tpu.memory_space<vmem>>
    %dma_wait3A_694 = arith.constant 0 : i32
    %dma_wait3A_695 = arith.constant 0 : i32
    %dma_wait3A_696 = tpu.memref_slice %arg2[%dma_wait3A_694, %dma_wait3A_695] : memref<1000000x16xf32, #tpu.memory_space<hbm>> -> memref<1000000x16xf32, #tpu.memory_space<hbm>>
    tpu.wait_indirect_dma semaphore(%arg7 : memref<!tpu.dma_semaphore, #tpu.memory_space<semaphore_mem>>) src(%dma_wait3A_696 : memref<1000000x16xf32, #tpu.memory_space<hbm>>) dst(%dma_wait3A_691 : memref<128x16xf32, #tpu.memory_space<vmem>>)
    %dma_wait3A_697 = arith.constant 4736 : i32
    %dma_wait3A_698 = arith.constant 0 : i32
    %dma_wait3A_699 = tpu.memref_slice %arg6[%dma_wait3A_697, %dma_wait3A_698] : memref<6400x16xf32, #tpu.memory_space<vmem>> -> memref<128x16xf32, #tpu.memory_space<vmem>>
    %dma_wait3A_700 = arith.constant 4736 : i32
    %dma_wait3A_701 = tpu.memref_slice %arg5[%dma_wait3A_700] : memref<6400xi32, #tpu.memory_space<vmem>> -> memref<128xi32, #tpu.memory_space<vmem>>
    %dma_wait3A_702 = arith.constant 0 : i32
    %dma_wait3A_703 = arith.constant 0 : i32
    %dma_wait3A_704 = tpu.memref_slice %arg2[%dma_wait3A_702, %dma_wait3A_703] : memref<1000000x16xf32, #tpu.memory_space<hbm>> -> memref<1000000x16xf32, #tpu.memory_space<hbm>>
    tpu.wait_indirect_dma semaphore(%arg7 : memref<!tpu.dma_semaphore, #tpu.memory_space<semaphore_mem>>) src(%dma_wait3A_704 : memref<1000000x16xf32, #tpu.memory_space<hbm>>) dst(%dma_wait3A_699 : memref<128x16xf32, #tpu.memory_space<vmem>>)
    %dma_wait3A_705 = arith.constant 4864 : i32
    %dma_wait3A_706 = arith.constant 0 : i32
    %dma_wait3A_707 = tpu.memref_slice %arg6[%dma_wait3A_705, %dma_wait3A_706] : memref<6400x16xf32, #tpu.memory_space<vmem>> -> memref<128x16xf32, #tpu.memory_space<vmem>>
    %dma_wait3A_708 = arith.constant 4864 : i32
    %dma_wait3A_709 = tpu.memref_slice %arg5[%dma_wait3A_708] : memref<6400xi32, #tpu.memory_space<vmem>> -> memref<128xi32, #tpu.memory_space<vmem>>
    %dma_wait3A_710 = arith.constant 0 : i32
    %dma_wait3A_711 = arith.constant 0 : i32
    %dma_wait3A_712 = tpu.memref_slice %arg2[%dma_wait3A_710, %dma_wait3A_711] : memref<1000000x16xf32, #tpu.memory_space<hbm>> -> memref<1000000x16xf32, #tpu.memory_space<hbm>>
    tpu.wait_indirect_dma semaphore(%arg7 : memref<!tpu.dma_semaphore, #tpu.memory_space<semaphore_mem>>) src(%dma_wait3A_712 : memref<1000000x16xf32, #tpu.memory_space<hbm>>) dst(%dma_wait3A_707 : memref<128x16xf32, #tpu.memory_space<vmem>>)
    %dma_wait3A_713 = arith.constant 4992 : i32
    %dma_wait3A_714 = arith.constant 0 : i32
    %dma_wait3A_715 = tpu.memref_slice %arg6[%dma_wait3A_713, %dma_wait3A_714] : memref<6400x16xf32, #tpu.memory_space<vmem>> -> memref<128x16xf32, #tpu.memory_space<vmem>>
    %dma_wait3A_716 = arith.constant 4992 : i32
    %dma_wait3A_717 = tpu.memref_slice %arg5[%dma_wait3A_716] : memref<6400xi32, #tpu.memory_space<vmem>> -> memref<128xi32, #tpu.memory_space<vmem>>
    %dma_wait3A_718 = arith.constant 0 : i32
    %dma_wait3A_719 = arith.constant 0 : i32
    %dma_wait3A_720 = tpu.memref_slice %arg2[%dma_wait3A_718, %dma_wait3A_719] : memref<1000000x16xf32, #tpu.memory_space<hbm>> -> memref<1000000x16xf32, #tpu.memory_space<hbm>>
    tpu.wait_indirect_dma semaphore(%arg7 : memref<!tpu.dma_semaphore, #tpu.memory_space<semaphore_mem>>) src(%dma_wait3A_720 : memref<1000000x16xf32, #tpu.memory_space<hbm>>) dst(%dma_wait3A_715 : memref<128x16xf32, #tpu.memory_space<vmem>>)
    %dma_wait3A_721 = arith.constant 5120 : i32
    %dma_wait3A_722 = arith.constant 0 : i32
    %dma_wait3A_723 = tpu.memref_slice %arg6[%dma_wait3A_721, %dma_wait3A_722] : memref<6400x16xf32, #tpu.memory_space<vmem>> -> memref<128x16xf32, #tpu.memory_space<vmem>>
    %dma_wait3A_724 = arith.constant 5120 : i32
    %dma_wait3A_725 = tpu.memref_slice %arg5[%dma_wait3A_724] : memref<6400xi32, #tpu.memory_space<vmem>> -> memref<128xi32, #tpu.memory_space<vmem>>
    %dma_wait3A_726 = arith.constant 0 : i32
    %dma_wait3A_727 = arith.constant 0 : i32
    %dma_wait3A_728 = tpu.memref_slice %arg2[%dma_wait3A_726, %dma_wait3A_727] : memref<1000000x16xf32, #tpu.memory_space<hbm>> -> memref<1000000x16xf32, #tpu.memory_space<hbm>>
    tpu.wait_indirect_dma semaphore(%arg7 : memref<!tpu.dma_semaphore, #tpu.memory_space<semaphore_mem>>) src(%dma_wait3A_728 : memref<1000000x16xf32, #tpu.memory_space<hbm>>) dst(%dma_wait3A_723 : memref<128x16xf32, #tpu.memory_space<vmem>>)
    %dma_wait3A_729 = arith.constant 5248 : i32
    %dma_wait3A_730 = arith.constant 0 : i32
    %dma_wait3A_731 = tpu.memref_slice %arg6[%dma_wait3A_729, %dma_wait3A_730] : memref<6400x16xf32, #tpu.memory_space<vmem>> -> memref<128x16xf32, #tpu.memory_space<vmem>>
    %dma_wait3A_732 = arith.constant 5248 : i32
    %dma_wait3A_733 = tpu.memref_slice %arg5[%dma_wait3A_732] : memref<6400xi32, #tpu.memory_space<vmem>> -> memref<128xi32, #tpu.memory_space<vmem>>
    %dma_wait3A_734 = arith.constant 0 : i32
    %dma_wait3A_735 = arith.constant 0 : i32
    %dma_wait3A_736 = tpu.memref_slice %arg2[%dma_wait3A_734, %dma_wait3A_735] : memref<1000000x16xf32, #tpu.memory_space<hbm>> -> memref<1000000x16xf32, #tpu.memory_space<hbm>>
    tpu.wait_indirect_dma semaphore(%arg7 : memref<!tpu.dma_semaphore, #tpu.memory_space<semaphore_mem>>) src(%dma_wait3A_736 : memref<1000000x16xf32, #tpu.memory_space<hbm>>) dst(%dma_wait3A_731 : memref<128x16xf32, #tpu.memory_space<vmem>>)
    %dma_wait3A_737 = arith.constant 5376 : i32
    %dma_wait3A_738 = arith.constant 0 : i32
    %dma_wait3A_739 = tpu.memref_slice %arg6[%dma_wait3A_737, %dma_wait3A_738] : memref<6400x16xf32, #tpu.memory_space<vmem>> -> memref<128x16xf32, #tpu.memory_space<vmem>>
    %dma_wait3A_740 = arith.constant 5376 : i32
    %dma_wait3A_741 = tpu.memref_slice %arg5[%dma_wait3A_740] : memref<6400xi32, #tpu.memory_space<vmem>> -> memref<128xi32, #tpu.memory_space<vmem>>
    %dma_wait3A_742 = arith.constant 0 : i32
    %dma_wait3A_743 = arith.constant 0 : i32
    %dma_wait3A_744 = tpu.memref_slice %arg2[%dma_wait3A_742, %dma_wait3A_743] : memref<1000000x16xf32, #tpu.memory_space<hbm>> -> memref<1000000x16xf32, #tpu.memory_space<hbm>>
    tpu.wait_indirect_dma semaphore(%arg7 : memref<!tpu.dma_semaphore, #tpu.memory_space<semaphore_mem>>) src(%dma_wait3A_744 : memref<1000000x16xf32, #tpu.memory_space<hbm>>) dst(%dma_wait3A_739 : memref<128x16xf32, #tpu.memory_space<vmem>>)
    %dma_wait3A_745 = arith.constant 5504 : i32
    %dma_wait3A_746 = arith.constant 0 : i32
    %dma_wait3A_747 = tpu.memref_slice %arg6[%dma_wait3A_745, %dma_wait3A_746] : memref<6400x16xf32, #tpu.memory_space<vmem>> -> memref<128x16xf32, #tpu.memory_space<vmem>>
    %dma_wait3A_748 = arith.constant 5504 : i32
    %dma_wait3A_749 = tpu.memref_slice %arg5[%dma_wait3A_748] : memref<6400xi32, #tpu.memory_space<vmem>> -> memref<128xi32, #tpu.memory_space<vmem>>
    %dma_wait3A_750 = arith.constant 0 : i32
    %dma_wait3A_751 = arith.constant 0 : i32
    %dma_wait3A_752 = tpu.memref_slice %arg2[%dma_wait3A_750, %dma_wait3A_751] : memref<1000000x16xf32, #tpu.memory_space<hbm>> -> memref<1000000x16xf32, #tpu.memory_space<hbm>>
    tpu.wait_indirect_dma semaphore(%arg7 : memref<!tpu.dma_semaphore, #tpu.memory_space<semaphore_mem>>) src(%dma_wait3A_752 : memref<1000000x16xf32, #tpu.memory_space<hbm>>) dst(%dma_wait3A_747 : memref<128x16xf32, #tpu.memory_space<vmem>>)
    %dma_wait3A_753 = arith.constant 5632 : i32
    %dma_wait3A_754 = arith.constant 0 : i32
    %dma_wait3A_755 = tpu.memref_slice %arg6[%dma_wait3A_753, %dma_wait3A_754] : memref<6400x16xf32, #tpu.memory_space<vmem>> -> memref<128x16xf32, #tpu.memory_space<vmem>>
    %dma_wait3A_756 = arith.constant 5632 : i32
    %dma_wait3A_757 = tpu.memref_slice %arg5[%dma_wait3A_756] : memref<6400xi32, #tpu.memory_space<vmem>> -> memref<128xi32, #tpu.memory_space<vmem>>
    %dma_wait3A_758 = arith.constant 0 : i32
    %dma_wait3A_759 = arith.constant 0 : i32
    %dma_wait3A_760 = tpu.memref_slice %arg2[%dma_wait3A_758, %dma_wait3A_759] : memref<1000000x16xf32, #tpu.memory_space<hbm>> -> memref<1000000x16xf32, #tpu.memory_space<hbm>>
    tpu.wait_indirect_dma semaphore(%arg7 : memref<!tpu.dma_semaphore, #tpu.memory_space<semaphore_mem>>) src(%dma_wait3A_760 : memref<1000000x16xf32, #tpu.memory_space<hbm>>) dst(%dma_wait3A_755 : memref<128x16xf32, #tpu.memory_space<vmem>>)
    %dma_wait3A_761 = arith.constant 5760 : i32
    %dma_wait3A_762 = arith.constant 0 : i32
    %dma_wait3A_763 = tpu.memref_slice %arg6[%dma_wait3A_761, %dma_wait3A_762] : memref<6400x16xf32, #tpu.memory_space<vmem>> -> memref<128x16xf32, #tpu.memory_space<vmem>>
    %dma_wait3A_764 = arith.constant 5760 : i32
    %dma_wait3A_765 = tpu.memref_slice %arg5[%dma_wait3A_764] : memref<6400xi32, #tpu.memory_space<vmem>> -> memref<128xi32, #tpu.memory_space<vmem>>
    %dma_wait3A_766 = arith.constant 0 : i32
    %dma_wait3A_767 = arith.constant 0 : i32
    %dma_wait3A_768 = tpu.memref_slice %arg2[%dma_wait3A_766, %dma_wait3A_767] : memref<1000000x16xf32, #tpu.memory_space<hbm>> -> memref<1000000x16xf32, #tpu.memory_space<hbm>>
    tpu.wait_indirect_dma semaphore(%arg7 : memref<!tpu.dma_semaphore, #tpu.memory_space<semaphore_mem>>) src(%dma_wait3A_768 : memref<1000000x16xf32, #tpu.memory_space<hbm>>) dst(%dma_wait3A_763 : memref<128x16xf32, #tpu.memory_space<vmem>>)
    %dma_wait3A_769 = arith.constant 5888 : i32
    %dma_wait3A_770 = arith.constant 0 : i32
    %dma_wait3A_771 = tpu.memref_slice %arg6[%dma_wait3A_769, %dma_wait3A_770] : memref<6400x16xf32, #tpu.memory_space<vmem>> -> memref<128x16xf32, #tpu.memory_space<vmem>>
    %dma_wait3A_772 = arith.constant 5888 : i32
    %dma_wait3A_773 = tpu.memref_slice %arg5[%dma_wait3A_772] : memref<6400xi32, #tpu.memory_space<vmem>> -> memref<128xi32, #tpu.memory_space<vmem>>
    %dma_wait3A_774 = arith.constant 0 : i32
    %dma_wait3A_775 = arith.constant 0 : i32
    %dma_wait3A_776 = tpu.memref_slice %arg2[%dma_wait3A_774, %dma_wait3A_775] : memref<1000000x16xf32, #tpu.memory_space<hbm>> -> memref<1000000x16xf32, #tpu.memory_space<hbm>>
    tpu.wait_indirect_dma semaphore(%arg7 : memref<!tpu.dma_semaphore, #tpu.memory_space<semaphore_mem>>) src(%dma_wait3A_776 : memref<1000000x16xf32, #tpu.memory_space<hbm>>) dst(%dma_wait3A_771 : memref<128x16xf32, #tpu.memory_space<vmem>>)
    %dma_wait3A_777 = arith.constant 6016 : i32
    %dma_wait3A_778 = arith.constant 0 : i32
    %dma_wait3A_779 = tpu.memref_slice %arg6[%dma_wait3A_777, %dma_wait3A_778] : memref<6400x16xf32, #tpu.memory_space<vmem>> -> memref<128x16xf32, #tpu.memory_space<vmem>>
    %dma_wait3A_780 = arith.constant 6016 : i32
    %dma_wait3A_781 = tpu.memref_slice %arg5[%dma_wait3A_780] : memref<6400xi32, #tpu.memory_space<vmem>> -> memref<128xi32, #tpu.memory_space<vmem>>
    %dma_wait3A_782 = arith.constant 0 : i32
    %dma_wait3A_783 = arith.constant 0 : i32
    %dma_wait3A_784 = tpu.memref_slice %arg2[%dma_wait3A_782, %dma_wait3A_783] : memref<1000000x16xf32, #tpu.memory_space<hbm>> -> memref<1000000x16xf32, #tpu.memory_space<hbm>>
    tpu.wait_indirect_dma semaphore(%arg7 : memref<!tpu.dma_semaphore, #tpu.memory_space<semaphore_mem>>) src(%dma_wait3A_784 : memref<1000000x16xf32, #tpu.memory_space<hbm>>) dst(%dma_wait3A_779 : memref<128x16xf32, #tpu.memory_space<vmem>>)
    %dma_wait3A_785 = arith.constant 6144 : i32
    %dma_wait3A_786 = arith.constant 0 : i32
    %dma_wait3A_787 = tpu.memref_slice %arg6[%dma_wait3A_785, %dma_wait3A_786] : memref<6400x16xf32, #tpu.memory_space<vmem>> -> memref<128x16xf32, #tpu.memory_space<vmem>>
    %dma_wait3A_788 = arith.constant 6144 : i32
    %dma_wait3A_789 = tpu.memref_slice %arg5[%dma_wait3A_788] : memref<6400xi32, #tpu.memory_space<vmem>> -> memref<128xi32, #tpu.memory_space<vmem>>
    %dma_wait3A_790 = arith.constant 0 : i32
    %dma_wait3A_791 = arith.constant 0 : i32
    %dma_wait3A_792 = tpu.memref_slice %arg2[%dma_wait3A_790, %dma_wait3A_791] : memref<1000000x16xf32, #tpu.memory_space<hbm>> -> memref<1000000x16xf32, #tpu.memory_space<hbm>>
    tpu.wait_indirect_dma semaphore(%arg7 : memref<!tpu.dma_semaphore, #tpu.memory_space<semaphore_mem>>) src(%dma_wait3A_792 : memref<1000000x16xf32, #tpu.memory_space<hbm>>) dst(%dma_wait3A_787 : memref<128x16xf32, #tpu.memory_space<vmem>>)
    %dma_wait3A_793 = arith.constant 6272 : i32
    %dma_wait3A_794 = arith.constant 0 : i32
    %dma_wait3A_795 = tpu.memref_slice %arg6[%dma_wait3A_793, %dma_wait3A_794] : memref<6400x16xf32, #tpu.memory_space<vmem>> -> memref<128x16xf32, #tpu.memory_space<vmem>>
    %dma_wait3A_796 = arith.constant 6272 : i32
    %dma_wait3A_797 = tpu.memref_slice %arg5[%dma_wait3A_796] : memref<6400xi32, #tpu.memory_space<vmem>> -> memref<128xi32, #tpu.memory_space<vmem>>
    %dma_wait3A_798 = arith.constant 0 : i32
    %dma_wait3A_799 = arith.constant 0 : i32
    %dma_wait3A_800 = tpu.memref_slice %arg2[%dma_wait3A_798, %dma_wait3A_799] : memref<1000000x16xf32, #tpu.memory_space<hbm>> -> memref<1000000x16xf32, #tpu.memory_space<hbm>>
    tpu.wait_indirect_dma semaphore(%arg7 : memref<!tpu.dma_semaphore, #tpu.memory_space<semaphore_mem>>) src(%dma_wait3A_800 : memref<1000000x16xf32, #tpu.memory_space<hbm>>) dst(%dma_wait3A_795 : memref<128x16xf32, #tpu.memory_space<vmem>>)
    "tpu.region"() ({
      %run_scoped3A = tpu.sem_alloc : memref<!tpu.dma_semaphore, #tpu.memory_space<semaphore_mem>>
      %dma_start3A_801 = arith.constant 0 : i32
      %dma_start3A_802 = tpu.memref_slice %arg4[%mul3A_2, %dma_start3A_801] : memref<204800x16xf32, #tpu.memory_space<hbm>> -> memref<6400x16xf32, #tpu.memory_space<hbm>>
      %dma_start3A_803 = arith.constant 0 : i32
      %dma_start3A_804 = tpu.memref_slice %arg4[%mul3A_2, %dma_start3A_803] : memref<204800x16xf32, #tpu.memory_space<hbm>> -> memref<6400x16xf32, #tpu.memory_space<hbm>>
      tpu.enqueue_dma source(%arg6 : memref<6400x16xf32, #tpu.memory_space<vmem>>) target(%dma_start3A_804 : memref<6400x16xf32, #tpu.memory_space<hbm>>) target_semaphore(%run_scoped3A : memref<!tpu.dma_semaphore, #tpu.memory_space<semaphore_mem>>)
      %dma_wait3A_805 = arith.constant 0 : i32
      %dma_wait3A_806 = tpu.memref_slice %arg4[%mul3A_2, %dma_wait3A_805] : memref<204800x16xf32, #tpu.memory_space<hbm>> -> memref<6400x16xf32, #tpu.memory_space<hbm>>
      %dma_wait3A_807 = arith.constant 0 : i32
      %dma_wait3A_808 = tpu.memref_slice %arg4[%mul3A_2, %dma_wait3A_807] : memref<204800x16xf32, #tpu.memory_space<hbm>> -> memref<6400x16xf32, #tpu.memory_space<hbm>>
      tpu.wait_dma2 semaphore(%run_scoped3A : memref<!tpu.dma_semaphore, #tpu.memory_space<semaphore_mem>>) src(%arg6 : memref<6400x16xf32, #tpu.memory_space<vmem>>) dst(%dma_wait3A_808 : memref<6400x16xf32, #tpu.memory_space<hbm>>)
      tpu.yield
    }) : () -> ()
    return
  }
}

module attributes {stable_mosaic.version = 14 : i64} {
  func.func @_tc_body(%arg0: i32, %arg1: memref<200x128xf32, #tpu.memory_space<vmem>>, %arg2: memref<8x200x200xf32, #tpu.memory_space<vmem>>, %arg3: memref<2x128x128xf32, #tpu.memory_space<vmem>>, %arg4: memref<2x128x128xf32, #tpu.memory_space<vmem>>, %arg5: memref<2x128x128xf32, #tpu.memory_space<vmem>>, %arg6: memref<2x128x128xf32, #tpu.memory_space<vmem>>, %arg7: memref<2x128x128xf32, #tpu.memory_space<vmem>>, %arg8: memref<2x128x128xf32, #tpu.memory_space<vmem>>, %arg9: memref<2x128x128xf32, #tpu.memory_space<vmem>>, %arg10: memref<128x128xf32, #tpu.memory_space<vmem>>, %arg11: memref<128x128xf32, #tpu.memory_space<vmem>>, %arg12: memref<128x64xf32, #tpu.memory_space<vmem>>, %arg13: memref<1x1x64xf32, #tpu.memory_space<vmem>>) attributes {dimension_semantics = [#tpu.dimension_semantics<arbitrary>], iteration_bounds = array<i64: 128>, scalar_prefetch = 0 : i64, scratch_operands = 0 : i64, tpu.core_type = #tpu.core_type<tc>, window_params = [{transform_indices = @transform_0, window_bounds = array<i64: 200, 128>}, {transform_indices = @transform_1, window_bounds = array<i64: 8, 200, 200>}, {pipeline_mode = #tpu.pipeline_mode<synchronous>, transform_indices = @transform_2, window_bounds = array<i64: 2, 128, 128>}, {pipeline_mode = #tpu.pipeline_mode<synchronous>, transform_indices = @transform_3, window_bounds = array<i64: 2, 128, 128>}, {pipeline_mode = #tpu.pipeline_mode<synchronous>, transform_indices = @transform_4, window_bounds = array<i64: 2, 128, 128>}, {pipeline_mode = #tpu.pipeline_mode<synchronous>, transform_indices = @transform_5, window_bounds = array<i64: 2, 128, 128>}, {pipeline_mode = #tpu.pipeline_mode<synchronous>, transform_indices = @transform_6, window_bounds = array<i64: 2, 128, 128>}, {pipeline_mode = #tpu.pipeline_mode<synchronous>, transform_indices = @transform_7, window_bounds = array<i64: 2, 128, 128>}, {pipeline_mode = #tpu.pipeline_mode<synchronous>, transform_indices = @transform_8, window_bounds = array<i64: 2, 128, 128>}, {pipeline_mode = #tpu.pipeline_mode<synchronous>, transform_indices = @transform_9, window_bounds = array<i64: 128, 128>}, {pipeline_mode = #tpu.pipeline_mode<synchronous>, transform_indices = @transform_10, window_bounds = array<i64: 128, 128>}, {pipeline_mode = #tpu.pipeline_mode<synchronous>, transform_indices = @transform_11, window_bounds = array<i64: 128, 64>}, {transform_indices = @transform_12, window_bounds = array<i64: 1, 1, 64>}]} {
    %get3A = arith.constant 0 : index
    %get3A_0 = arith.constant 0 : index
    %get3A_1 = vector.load %arg1[%get3A, %get3A_0] : memref<200x128xf32, #tpu.memory_space<vmem>>, vector<200x128xf32>
    %iota3A = tpu.iota {dimensions = array<i32: 1>} : vector<200x128xi32>
    %jit3A = arith.constant 16 : i32
    %div3A = vector.broadcast %jit3A : i32 to vector<200x128xi32>
    %div3A_2 = arith.divsi %iota3A, %div3A : vector<200x128xi32>
    %sign3A = arith.constant 0 : i32
    %sign3A_3 = vector.broadcast %sign3A : i32 to vector<200x128xi32>
    %sign3A_4 = arith.cmpi sgt, %iota3A, %sign3A_3 : vector<200x128xi32>
    %sign3A_5 = arith.extui %sign3A_4 : vector<200x128xi1> to vector<200x128xi32>
    %sign3A_6 = arith.constant 0 : i32
    %sign3A_7 = vector.broadcast %sign3A_6 : i32 to vector<200x128xi32>
    %sign3A_8 = arith.cmpi slt, %iota3A, %sign3A_7 : vector<200x128xi32>
    %sign3A_9 = arith.extui %sign3A_8 : vector<200x128xi1> to vector<200x128xi32>
    %sign3A_10 = arith.subi %sign3A_5, %sign3A_9 : vector<200x128xi32>
    %sign3A_11 = arith.constant 0 : i32
    %sign3A_12 = arith.cmpi sgt, %jit3A, %sign3A_11 : i32
    %sign3A_13 = arith.extui %sign3A_12 : i1 to i32
    %sign3A_14 = arith.constant 0 : i32
    %sign3A_15 = arith.cmpi slt, %jit3A, %sign3A_14 : i32
    %sign3A_16 = arith.extui %sign3A_15 : i1 to i32
    %sign3A_17 = arith.subi %sign3A_13, %sign3A_16 : i32
    %ne3A = vector.broadcast %sign3A_17 : i32 to vector<200x128xi32>
    %ne3A_18 = arith.cmpi ne, %sign3A_10, %ne3A : vector<200x128xi32>
    %rem3A = vector.broadcast %jit3A : i32 to vector<200x128xi32>
    %rem3A_19 = arith.remsi %iota3A, %rem3A : vector<200x128xi32>
    %ne3A_20 = arith.constant 0 : i32
    %ne3A_21 = vector.broadcast %ne3A_20 : i32 to vector<200x128xi32>
    %ne3A_22 = arith.cmpi ne, %rem3A_19, %ne3A_21 : vector<200x128xi32>
    %and3A = arith.andi %ne3A_18, %ne3A_22 : vector<200x128xi1>
    %sub3A = arith.constant 1 : i32
    %sub3A_23 = vector.broadcast %sub3A : i32 to vector<200x128xi32>
    %sub3A_24 = arith.subi %div3A_2, %sub3A_23 : vector<200x128xi32>
    %select_n3A = arith.select %and3A, %sub3A_24, %div3A_2 : vector<200x128xi1>, vector<200x128xi32>
    %get3A_25 = arith.constant 0 : index
    %get3A_26 = arith.constant 0 : index
    %get3A_27 = arith.constant 0 : index
    %get3A_28 = vector.load %arg3[%get3A_25, %get3A_26, %get3A_27] : memref<2x128x128xf32, #tpu.memory_space<vmem>>, vector<1x128x128xf32>
    %get3A_29 = vector.shape_cast %get3A_28 : vector<1x128x128xf32> to vector<128x128xf32>
    %dot_general3A = arith.constant dense<0.000000e+00> : vector<200x128xf32>
    %dot_general3A_30 = tpu.matmul %get3A_1, %get3A_29, %dot_general3A {dimension_numbers = #tpu.dot_dimension_numbers<[1], [0], [0], [1], [0, 0, 1, 1], [], []>, transpose_lhs_hint = false} : vector<200x128xf32>, vector<128x128xf32>, vector<200x128xf32> -> vector<200x128xf32>
    %max3A = arith.constant 0.000000e+00 : f32
    %max3A_31 = vector.broadcast %max3A : f32 to vector<200x128xf32>
    %max3A_32 = arith.maximumf %dot_general3A_30, %max3A_31 : vector<200x128xf32>
    %broadcast_in_dim3A = arith.constant 0.000000e+00 : f32
    %broadcast_in_dim3A_33 = vector.broadcast %broadcast_in_dim3A : f32 to vector<200x128xf32>
    %eq3A = arith.constant 0 : i32
    %eq3A_34 = vector.broadcast %eq3A : i32 to vector<200x128xi32>
    %eq3A_35 = arith.cmpi eq, %select_n3A, %eq3A_34 : vector<200x128xi32>
    %get3A_36 = arith.constant 0 : index
    %get3A_37 = arith.constant 0 : index
    %get3A_38 = arith.constant 0 : index
    %get3A_39 = vector.load %arg2[%get3A_36, %get3A_37, %get3A_38] : memref<8x200x200xf32, #tpu.memory_space<vmem>>, vector<1x200x200xf32>
    %get3A_40 = vector.shape_cast %get3A_39 : vector<1x200x200xf32> to vector<200x200xf32>
    %dot_general3A_41 = arith.constant dense<0.000000e+00> : vector<200x128xf32>
    %dot_general3A_42 = tpu.matmul %get3A_40, %max3A_32, %dot_general3A_41 {dimension_numbers = #tpu.dot_dimension_numbers<[1], [0], [0], [1], [0, 0, 1, 1], [], []>, transpose_lhs_hint = false} : vector<200x200xf32>, vector<200x128xf32>, vector<200x128xf32> -> vector<200x128xf32>
    %select_n3A_43 = arith.select %eq3A_35, %dot_general3A_42, %broadcast_in_dim3A_33 : vector<200x128xi1>, vector<200x128xf32>
    %eq3A_44 = arith.constant 1 : i32
    %eq3A_45 = vector.broadcast %eq3A_44 : i32 to vector<200x128xi32>
    %eq3A_46 = arith.cmpi eq, %select_n3A, %eq3A_45 : vector<200x128xi32>
    %get3A_47 = arith.constant 1 : index
    %get3A_48 = arith.constant 0 : index
    %get3A_49 = arith.constant 0 : index
    %get3A_50 = vector.load %arg2[%get3A_47, %get3A_48, %get3A_49] : memref<8x200x200xf32, #tpu.memory_space<vmem>>, vector<1x200x200xf32>
    %get3A_51 = vector.shape_cast %get3A_50 : vector<1x200x200xf32> to vector<200x200xf32>
    %dot_general3A_52 = arith.constant dense<0.000000e+00> : vector<200x128xf32>
    %dot_general3A_53 = tpu.matmul %get3A_51, %max3A_32, %dot_general3A_52 {dimension_numbers = #tpu.dot_dimension_numbers<[1], [0], [0], [1], [0, 0, 1, 1], [], []>, transpose_lhs_hint = false} : vector<200x200xf32>, vector<200x128xf32>, vector<200x128xf32> -> vector<200x128xf32>
    %select_n3A_54 = arith.select %eq3A_46, %dot_general3A_53, %select_n3A_43 : vector<200x128xi1>, vector<200x128xf32>
    %eq3A_55 = arith.constant 2 : i32
    %eq3A_56 = vector.broadcast %eq3A_55 : i32 to vector<200x128xi32>
    %eq3A_57 = arith.cmpi eq, %select_n3A, %eq3A_56 : vector<200x128xi32>
    %get3A_58 = arith.constant 2 : index
    %get3A_59 = arith.constant 0 : index
    %get3A_60 = arith.constant 0 : index
    %get3A_61 = vector.load %arg2[%get3A_58, %get3A_59, %get3A_60] : memref<8x200x200xf32, #tpu.memory_space<vmem>>, vector<1x200x200xf32>
    %get3A_62 = vector.shape_cast %get3A_61 : vector<1x200x200xf32> to vector<200x200xf32>
    %dot_general3A_63 = arith.constant dense<0.000000e+00> : vector<200x128xf32>
    %dot_general3A_64 = tpu.matmul %get3A_62, %max3A_32, %dot_general3A_63 {dimension_numbers = #tpu.dot_dimension_numbers<[1], [0], [0], [1], [0, 0, 1, 1], [], []>, transpose_lhs_hint = false} : vector<200x200xf32>, vector<200x128xf32>, vector<200x128xf32> -> vector<200x128xf32>
    %select_n3A_65 = arith.select %eq3A_57, %dot_general3A_64, %select_n3A_54 : vector<200x128xi1>, vector<200x128xf32>
    %eq3A_66 = arith.constant 3 : i32
    %eq3A_67 = vector.broadcast %eq3A_66 : i32 to vector<200x128xi32>
    %eq3A_68 = arith.cmpi eq, %select_n3A, %eq3A_67 : vector<200x128xi32>
    %get3A_69 = arith.constant 3 : index
    %get3A_70 = arith.constant 0 : index
    %get3A_71 = arith.constant 0 : index
    %get3A_72 = vector.load %arg2[%get3A_69, %get3A_70, %get3A_71] : memref<8x200x200xf32, #tpu.memory_space<vmem>>, vector<1x200x200xf32>
    %get3A_73 = vector.shape_cast %get3A_72 : vector<1x200x200xf32> to vector<200x200xf32>
    %dot_general3A_74 = arith.constant dense<0.000000e+00> : vector<200x128xf32>
    %dot_general3A_75 = tpu.matmul %get3A_73, %max3A_32, %dot_general3A_74 {dimension_numbers = #tpu.dot_dimension_numbers<[1], [0], [0], [1], [0, 0, 1, 1], [], []>, transpose_lhs_hint = false} : vector<200x200xf32>, vector<200x128xf32>, vector<200x128xf32> -> vector<200x128xf32>
    %select_n3A_76 = arith.select %eq3A_68, %dot_general3A_75, %select_n3A_65 : vector<200x128xi1>, vector<200x128xf32>
    %eq3A_77 = arith.constant 4 : i32
    %eq3A_78 = vector.broadcast %eq3A_77 : i32 to vector<200x128xi32>
    %eq3A_79 = arith.cmpi eq, %select_n3A, %eq3A_78 : vector<200x128xi32>
    %get3A_80 = arith.constant 4 : index
    %get3A_81 = arith.constant 0 : index
    %get3A_82 = arith.constant 0 : index
    %get3A_83 = vector.load %arg2[%get3A_80, %get3A_81, %get3A_82] : memref<8x200x200xf32, #tpu.memory_space<vmem>>, vector<1x200x200xf32>
    %get3A_84 = vector.shape_cast %get3A_83 : vector<1x200x200xf32> to vector<200x200xf32>
    %dot_general3A_85 = arith.constant dense<0.000000e+00> : vector<200x128xf32>
    %dot_general3A_86 = tpu.matmul %get3A_84, %max3A_32, %dot_general3A_85 {dimension_numbers = #tpu.dot_dimension_numbers<[1], [0], [0], [1], [0, 0, 1, 1], [], []>, transpose_lhs_hint = false} : vector<200x200xf32>, vector<200x128xf32>, vector<200x128xf32> -> vector<200x128xf32>
    %select_n3A_87 = arith.select %eq3A_79, %dot_general3A_86, %select_n3A_76 : vector<200x128xi1>, vector<200x128xf32>
    %eq3A_88 = arith.constant 5 : i32
    %eq3A_89 = vector.broadcast %eq3A_88 : i32 to vector<200x128xi32>
    %eq3A_90 = arith.cmpi eq, %select_n3A, %eq3A_89 : vector<200x128xi32>
    %get3A_91 = arith.constant 5 : index
    %get3A_92 = arith.constant 0 : index
    %get3A_93 = arith.constant 0 : index
    %get3A_94 = vector.load %arg2[%get3A_91, %get3A_92, %get3A_93] : memref<8x200x200xf32, #tpu.memory_space<vmem>>, vector<1x200x200xf32>
    %get3A_95 = vector.shape_cast %get3A_94 : vector<1x200x200xf32> to vector<200x200xf32>
    %dot_general3A_96 = arith.constant dense<0.000000e+00> : vector<200x128xf32>
    %dot_general3A_97 = tpu.matmul %get3A_95, %max3A_32, %dot_general3A_96 {dimension_numbers = #tpu.dot_dimension_numbers<[1], [0], [0], [1], [0, 0, 1, 1], [], []>, transpose_lhs_hint = false} : vector<200x200xf32>, vector<200x128xf32>, vector<200x128xf32> -> vector<200x128xf32>
    %select_n3A_98 = arith.select %eq3A_90, %dot_general3A_97, %select_n3A_87 : vector<200x128xi1>, vector<200x128xf32>
    %eq3A_99 = arith.constant 6 : i32
    %eq3A_100 = vector.broadcast %eq3A_99 : i32 to vector<200x128xi32>
    %eq3A_101 = arith.cmpi eq, %select_n3A, %eq3A_100 : vector<200x128xi32>
    %get3A_102 = arith.constant 6 : index
    %get3A_103 = arith.constant 0 : index
    %get3A_104 = arith.constant 0 : index
    %get3A_105 = vector.load %arg2[%get3A_102, %get3A_103, %get3A_104] : memref<8x200x200xf32, #tpu.memory_space<vmem>>, vector<1x200x200xf32>
    %get3A_106 = vector.shape_cast %get3A_105 : vector<1x200x200xf32> to vector<200x200xf32>
    %dot_general3A_107 = arith.constant dense<0.000000e+00> : vector<200x128xf32>
    %dot_general3A_108 = tpu.matmul %get3A_106, %max3A_32, %dot_general3A_107 {dimension_numbers = #tpu.dot_dimension_numbers<[1], [0], [0], [1], [0, 0, 1, 1], [], []>, transpose_lhs_hint = false} : vector<200x200xf32>, vector<200x128xf32>, vector<200x128xf32> -> vector<200x128xf32>
    %select_n3A_109 = arith.select %eq3A_101, %dot_general3A_108, %select_n3A_98 : vector<200x128xi1>, vector<200x128xf32>
    %eq3A_110 = arith.constant 7 : i32
    %eq3A_111 = vector.broadcast %eq3A_110 : i32 to vector<200x128xi32>
    %eq3A_112 = arith.cmpi eq, %select_n3A, %eq3A_111 : vector<200x128xi32>
    %get3A_113 = arith.constant 7 : index
    %get3A_114 = arith.constant 0 : index
    %get3A_115 = arith.constant 0 : index
    %get3A_116 = vector.load %arg2[%get3A_113, %get3A_114, %get3A_115] : memref<8x200x200xf32, #tpu.memory_space<vmem>>, vector<1x200x200xf32>
    %get3A_117 = vector.shape_cast %get3A_116 : vector<1x200x200xf32> to vector<200x200xf32>
    %dot_general3A_118 = arith.constant dense<0.000000e+00> : vector<200x128xf32>
    %dot_general3A_119 = tpu.matmul %get3A_117, %max3A_32, %dot_general3A_118 {dimension_numbers = #tpu.dot_dimension_numbers<[1], [0], [0], [1], [0, 0, 1, 1], [], []>, transpose_lhs_hint = false} : vector<200x200xf32>, vector<200x128xf32>, vector<200x128xf32> -> vector<200x128xf32>
    %select_n3A_120 = arith.select %eq3A_112, %dot_general3A_119, %select_n3A_109 : vector<200x128xi1>, vector<200x128xf32>
    %get3A_121 = arith.constant 0 : index
    %get3A_122 = arith.constant 0 : index
    %get3A_123 = arith.constant 0 : index
    %get3A_124 = vector.load %arg4[%get3A_121, %get3A_122, %get3A_123] : memref<2x128x128xf32, #tpu.memory_space<vmem>>, vector<1x128x128xf32>
    %get3A_125 = vector.shape_cast %get3A_124 : vector<1x128x128xf32> to vector<128x128xf32>
    %dot_general3A_126 = arith.constant dense<0.000000e+00> : vector<200x128xf32>
    %dot_general3A_127 = tpu.matmul %select_n3A_120, %get3A_125, %dot_general3A_126 {dimension_numbers = #tpu.dot_dimension_numbers<[1], [0], [0], [1], [0, 0, 1, 1], [], []>, transpose_lhs_hint = false} : vector<200x128xf32>, vector<128x128xf32>, vector<200x128xf32> -> vector<200x128xf32>
    %get3A_128 = arith.constant 0 : index
    %get3A_129 = arith.constant 0 : index
    %get3A_130 = arith.constant 0 : index
    %get3A_131 = vector.load %arg5[%get3A_128, %get3A_129, %get3A_130] : memref<2x128x128xf32, #tpu.memory_space<vmem>>, vector<1x128x128xf32>
    %get3A_132 = vector.shape_cast %get3A_131 : vector<1x128x128xf32> to vector<128x128xf32>
    %dot_general3A_133 = arith.constant dense<0.000000e+00> : vector<200x128xf32>
    %dot_general3A_134 = tpu.matmul %max3A_32, %get3A_132, %dot_general3A_133 {dimension_numbers = #tpu.dot_dimension_numbers<[1], [0], [0], [1], [0, 0, 1, 1], [], []>, transpose_lhs_hint = false} : vector<200x128xf32>, vector<128x128xf32>, vector<200x128xf32> -> vector<200x128xf32>
    %add3A = arith.addf %dot_general3A_127, %dot_general3A_134 : vector<200x128xf32>
    %logistic3A = arith.negf %add3A : vector<200x128xf32>
    %logistic3A_135 = math.exp %logistic3A : vector<200x128xf32>
    %logistic3A_136 = arith.constant 1.000000e+00 : f32
    %logistic3A_137 = vector.broadcast %logistic3A_136 : f32 to vector<200x128xf32>
    %logistic3A_138 = arith.addf %logistic3A_137, %logistic3A_135 : vector<200x128xf32>
    %logistic3A_139 = arith.divf %logistic3A_137, %logistic3A_138 : vector<200x128xf32>
    %get3A_140 = arith.constant 0 : index
    %get3A_141 = arith.constant 0 : index
    %get3A_142 = arith.constant 0 : index
    %get3A_143 = vector.load %arg6[%get3A_140, %get3A_141, %get3A_142] : memref<2x128x128xf32, #tpu.memory_space<vmem>>, vector<1x128x128xf32>
    %get3A_144 = vector.shape_cast %get3A_143 : vector<1x128x128xf32> to vector<128x128xf32>
    %dot_general3A_145 = arith.constant dense<0.000000e+00> : vector<200x128xf32>
    %dot_general3A_146 = tpu.matmul %select_n3A_120, %get3A_144, %dot_general3A_145 {dimension_numbers = #tpu.dot_dimension_numbers<[1], [0], [0], [1], [0, 0, 1, 1], [], []>, transpose_lhs_hint = false} : vector<200x128xf32>, vector<128x128xf32>, vector<200x128xf32> -> vector<200x128xf32>
    %get3A_147 = arith.constant 0 : index
    %get3A_148 = arith.constant 0 : index
    %get3A_149 = arith.constant 0 : index
    %get3A_150 = vector.load %arg7[%get3A_147, %get3A_148, %get3A_149] : memref<2x128x128xf32, #tpu.memory_space<vmem>>, vector<1x128x128xf32>
    %get3A_151 = vector.shape_cast %get3A_150 : vector<1x128x128xf32> to vector<128x128xf32>
    %dot_general3A_152 = arith.constant dense<0.000000e+00> : vector<200x128xf32>
    %dot_general3A_153 = tpu.matmul %max3A_32, %get3A_151, %dot_general3A_152 {dimension_numbers = #tpu.dot_dimension_numbers<[1], [0], [0], [1], [0, 0, 1, 1], [], []>, transpose_lhs_hint = false} : vector<200x128xf32>, vector<128x128xf32>, vector<200x128xf32> -> vector<200x128xf32>
    %add3A_154 = arith.addf %dot_general3A_146, %dot_general3A_153 : vector<200x128xf32>
    %logistic3A_155 = arith.negf %add3A_154 : vector<200x128xf32>
    %logistic3A_156 = math.exp %logistic3A_155 : vector<200x128xf32>
    %logistic3A_157 = arith.constant 1.000000e+00 : f32
    %logistic3A_158 = vector.broadcast %logistic3A_157 : f32 to vector<200x128xf32>
    %logistic3A_159 = arith.addf %logistic3A_158, %logistic3A_156 : vector<200x128xf32>
    %logistic3A_160 = arith.divf %logistic3A_158, %logistic3A_159 : vector<200x128xf32>
    %get3A_161 = arith.constant 0 : index
    %get3A_162 = arith.constant 0 : index
    %get3A_163 = arith.constant 0 : index
    %get3A_164 = vector.load %arg8[%get3A_161, %get3A_162, %get3A_163] : memref<2x128x128xf32, #tpu.memory_space<vmem>>, vector<1x128x128xf32>
    %get3A_165 = vector.shape_cast %get3A_164 : vector<1x128x128xf32> to vector<128x128xf32>
    %dot_general3A_166 = arith.constant dense<0.000000e+00> : vector<200x128xf32>
    %dot_general3A_167 = tpu.matmul %select_n3A_120, %get3A_165, %dot_general3A_166 {dimension_numbers = #tpu.dot_dimension_numbers<[1], [0], [0], [1], [0, 0, 1, 1], [], []>, transpose_lhs_hint = false} : vector<200x128xf32>, vector<128x128xf32>, vector<200x128xf32> -> vector<200x128xf32>
    %mul3A = arith.mulf %logistic3A_160, %max3A_32 : vector<200x128xf32>
    %get3A_168 = arith.constant 0 : index
    %get3A_169 = arith.constant 0 : index
    %get3A_170 = arith.constant 0 : index
    %get3A_171 = vector.load %arg9[%get3A_168, %get3A_169, %get3A_170] : memref<2x128x128xf32, #tpu.memory_space<vmem>>, vector<1x128x128xf32>
    %get3A_172 = vector.shape_cast %get3A_171 : vector<1x128x128xf32> to vector<128x128xf32>
    %dot_general3A_173 = arith.constant dense<0.000000e+00> : vector<200x128xf32>
    %dot_general3A_174 = tpu.matmul %mul3A, %get3A_172, %dot_general3A_173 {dimension_numbers = #tpu.dot_dimension_numbers<[1], [0], [0], [1], [0, 0, 1, 1], [], []>, transpose_lhs_hint = false} : vector<200x128xf32>, vector<128x128xf32>, vector<200x128xf32> -> vector<200x128xf32>
    %add3A_175 = arith.addf %dot_general3A_167, %dot_general3A_174 : vector<200x128xf32>
    %tanh3A = math.tanh %add3A_175 : vector<200x128xf32>
    %mul3A_176 = arith.mulf %tanh3A, %logistic3A_139 : vector<200x128xf32>
    %sub3A_177 = arith.constant 1.000000e+00 : f32
    %sub3A_178 = vector.broadcast %sub3A_177 : f32 to vector<200x128xf32>
    %sub3A_179 = arith.subf %sub3A_178, %logistic3A_139 : vector<200x128xf32>
    %mul3A_180 = arith.mulf %max3A_32, %sub3A_179 : vector<200x128xf32>
    %add3A_181 = arith.addf %mul3A_176, %mul3A_180 : vector<200x128xf32>
    %get3A_182 = arith.constant 1 : index
    %get3A_183 = arith.constant 0 : index
    %get3A_184 = arith.constant 0 : index
    %get3A_185 = vector.load %arg3[%get3A_182, %get3A_183, %get3A_184] : memref<2x128x128xf32, #tpu.memory_space<vmem>>, vector<1x128x128xf32>
    %get3A_186 = vector.shape_cast %get3A_185 : vector<1x128x128xf32> to vector<128x128xf32>
    %dot_general3A_187 = arith.constant dense<0.000000e+00> : vector<200x128xf32>
    %dot_general3A_188 = tpu.matmul %add3A_181, %get3A_186, %dot_general3A_187 {dimension_numbers = #tpu.dot_dimension_numbers<[1], [0], [0], [1], [0, 0, 1, 1], [], []>, transpose_lhs_hint = false} : vector<200x128xf32>, vector<128x128xf32>, vector<200x128xf32> -> vector<200x128xf32>
    %max3A_189 = arith.constant 0.000000e+00 : f32
    %max3A_190 = vector.broadcast %max3A_189 : f32 to vector<200x128xf32>
    %max3A_191 = arith.maximumf %dot_general3A_188, %max3A_190 : vector<200x128xf32>
    %broadcast_in_dim3A_192 = arith.constant 0.000000e+00 : f32
    %broadcast_in_dim3A_193 = vector.broadcast %broadcast_in_dim3A_192 : f32 to vector<200x128xf32>
    %eq3A_194 = arith.constant 0 : i32
    %eq3A_195 = vector.broadcast %eq3A_194 : i32 to vector<200x128xi32>
    %eq3A_196 = arith.cmpi eq, %select_n3A, %eq3A_195 : vector<200x128xi32>
    %get3A_197 = arith.constant 0 : index
    %get3A_198 = arith.constant 0 : index
    %get3A_199 = arith.constant 0 : index
    %get3A_200 = vector.load %arg2[%get3A_197, %get3A_198, %get3A_199] : memref<8x200x200xf32, #tpu.memory_space<vmem>>, vector<1x200x200xf32>
    %get3A_201 = vector.shape_cast %get3A_200 : vector<1x200x200xf32> to vector<200x200xf32>
    %dot_general3A_202 = arith.constant dense<0.000000e+00> : vector<200x128xf32>
    %dot_general3A_203 = tpu.matmul %get3A_201, %max3A_191, %dot_general3A_202 {dimension_numbers = #tpu.dot_dimension_numbers<[1], [0], [0], [1], [0, 0, 1, 1], [], []>, transpose_lhs_hint = false} : vector<200x200xf32>, vector<200x128xf32>, vector<200x128xf32> -> vector<200x128xf32>
    %select_n3A_204 = arith.select %eq3A_196, %dot_general3A_203, %broadcast_in_dim3A_193 : vector<200x128xi1>, vector<200x128xf32>
    %eq3A_205 = arith.constant 1 : i32
    %eq3A_206 = vector.broadcast %eq3A_205 : i32 to vector<200x128xi32>
    %eq3A_207 = arith.cmpi eq, %select_n3A, %eq3A_206 : vector<200x128xi32>
    %get3A_208 = arith.constant 1 : index
    %get3A_209 = arith.constant 0 : index
    %get3A_210 = arith.constant 0 : index
    %get3A_211 = vector.load %arg2[%get3A_208, %get3A_209, %get3A_210] : memref<8x200x200xf32, #tpu.memory_space<vmem>>, vector<1x200x200xf32>
    %get3A_212 = vector.shape_cast %get3A_211 : vector<1x200x200xf32> to vector<200x200xf32>
    %dot_general3A_213 = arith.constant dense<0.000000e+00> : vector<200x128xf32>
    %dot_general3A_214 = tpu.matmul %get3A_212, %max3A_191, %dot_general3A_213 {dimension_numbers = #tpu.dot_dimension_numbers<[1], [0], [0], [1], [0, 0, 1, 1], [], []>, transpose_lhs_hint = false} : vector<200x200xf32>, vector<200x128xf32>, vector<200x128xf32> -> vector<200x128xf32>
    %select_n3A_215 = arith.select %eq3A_207, %dot_general3A_214, %select_n3A_204 : vector<200x128xi1>, vector<200x128xf32>
    %eq3A_216 = arith.constant 2 : i32
    %eq3A_217 = vector.broadcast %eq3A_216 : i32 to vector<200x128xi32>
    %eq3A_218 = arith.cmpi eq, %select_n3A, %eq3A_217 : vector<200x128xi32>
    %get3A_219 = arith.constant 2 : index
    %get3A_220 = arith.constant 0 : index
    %get3A_221 = arith.constant 0 : index
    %get3A_222 = vector.load %arg2[%get3A_219, %get3A_220, %get3A_221] : memref<8x200x200xf32, #tpu.memory_space<vmem>>, vector<1x200x200xf32>
    %get3A_223 = vector.shape_cast %get3A_222 : vector<1x200x200xf32> to vector<200x200xf32>
    %dot_general3A_224 = arith.constant dense<0.000000e+00> : vector<200x128xf32>
    %dot_general3A_225 = tpu.matmul %get3A_223, %max3A_191, %dot_general3A_224 {dimension_numbers = #tpu.dot_dimension_numbers<[1], [0], [0], [1], [0, 0, 1, 1], [], []>, transpose_lhs_hint = false} : vector<200x200xf32>, vector<200x128xf32>, vector<200x128xf32> -> vector<200x128xf32>
    %select_n3A_226 = arith.select %eq3A_218, %dot_general3A_225, %select_n3A_215 : vector<200x128xi1>, vector<200x128xf32>
    %eq3A_227 = arith.constant 3 : i32
    %eq3A_228 = vector.broadcast %eq3A_227 : i32 to vector<200x128xi32>
    %eq3A_229 = arith.cmpi eq, %select_n3A, %eq3A_228 : vector<200x128xi32>
    %get3A_230 = arith.constant 3 : index
    %get3A_231 = arith.constant 0 : index
    %get3A_232 = arith.constant 0 : index
    %get3A_233 = vector.load %arg2[%get3A_230, %get3A_231, %get3A_232] : memref<8x200x200xf32, #tpu.memory_space<vmem>>, vector<1x200x200xf32>
    %get3A_234 = vector.shape_cast %get3A_233 : vector<1x200x200xf32> to vector<200x200xf32>
    %dot_general3A_235 = arith.constant dense<0.000000e+00> : vector<200x128xf32>
    %dot_general3A_236 = tpu.matmul %get3A_234, %max3A_191, %dot_general3A_235 {dimension_numbers = #tpu.dot_dimension_numbers<[1], [0], [0], [1], [0, 0, 1, 1], [], []>, transpose_lhs_hint = false} : vector<200x200xf32>, vector<200x128xf32>, vector<200x128xf32> -> vector<200x128xf32>
    %select_n3A_237 = arith.select %eq3A_229, %dot_general3A_236, %select_n3A_226 : vector<200x128xi1>, vector<200x128xf32>
    %eq3A_238 = arith.constant 4 : i32
    %eq3A_239 = vector.broadcast %eq3A_238 : i32 to vector<200x128xi32>
    %eq3A_240 = arith.cmpi eq, %select_n3A, %eq3A_239 : vector<200x128xi32>
    %get3A_241 = arith.constant 4 : index
    %get3A_242 = arith.constant 0 : index
    %get3A_243 = arith.constant 0 : index
    %get3A_244 = vector.load %arg2[%get3A_241, %get3A_242, %get3A_243] : memref<8x200x200xf32, #tpu.memory_space<vmem>>, vector<1x200x200xf32>
    %get3A_245 = vector.shape_cast %get3A_244 : vector<1x200x200xf32> to vector<200x200xf32>
    %dot_general3A_246 = arith.constant dense<0.000000e+00> : vector<200x128xf32>
    %dot_general3A_247 = tpu.matmul %get3A_245, %max3A_191, %dot_general3A_246 {dimension_numbers = #tpu.dot_dimension_numbers<[1], [0], [0], [1], [0, 0, 1, 1], [], []>, transpose_lhs_hint = false} : vector<200x200xf32>, vector<200x128xf32>, vector<200x128xf32> -> vector<200x128xf32>
    %select_n3A_248 = arith.select %eq3A_240, %dot_general3A_247, %select_n3A_237 : vector<200x128xi1>, vector<200x128xf32>
    %eq3A_249 = arith.constant 5 : i32
    %eq3A_250 = vector.broadcast %eq3A_249 : i32 to vector<200x128xi32>
    %eq3A_251 = arith.cmpi eq, %select_n3A, %eq3A_250 : vector<200x128xi32>
    %get3A_252 = arith.constant 5 : index
    %get3A_253 = arith.constant 0 : index
    %get3A_254 = arith.constant 0 : index
    %get3A_255 = vector.load %arg2[%get3A_252, %get3A_253, %get3A_254] : memref<8x200x200xf32, #tpu.memory_space<vmem>>, vector<1x200x200xf32>
    %get3A_256 = vector.shape_cast %get3A_255 : vector<1x200x200xf32> to vector<200x200xf32>
    %dot_general3A_257 = arith.constant dense<0.000000e+00> : vector<200x128xf32>
    %dot_general3A_258 = tpu.matmul %get3A_256, %max3A_191, %dot_general3A_257 {dimension_numbers = #tpu.dot_dimension_numbers<[1], [0], [0], [1], [0, 0, 1, 1], [], []>, transpose_lhs_hint = false} : vector<200x200xf32>, vector<200x128xf32>, vector<200x128xf32> -> vector<200x128xf32>
    %select_n3A_259 = arith.select %eq3A_251, %dot_general3A_258, %select_n3A_248 : vector<200x128xi1>, vector<200x128xf32>
    %eq3A_260 = arith.constant 6 : i32
    %eq3A_261 = vector.broadcast %eq3A_260 : i32 to vector<200x128xi32>
    %eq3A_262 = arith.cmpi eq, %select_n3A, %eq3A_261 : vector<200x128xi32>
    %get3A_263 = arith.constant 6 : index
    %get3A_264 = arith.constant 0 : index
    %get3A_265 = arith.constant 0 : index
    %get3A_266 = vector.load %arg2[%get3A_263, %get3A_264, %get3A_265] : memref<8x200x200xf32, #tpu.memory_space<vmem>>, vector<1x200x200xf32>
    %get3A_267 = vector.shape_cast %get3A_266 : vector<1x200x200xf32> to vector<200x200xf32>
    %dot_general3A_268 = arith.constant dense<0.000000e+00> : vector<200x128xf32>
    %dot_general3A_269 = tpu.matmul %get3A_267, %max3A_191, %dot_general3A_268 {dimension_numbers = #tpu.dot_dimension_numbers<[1], [0], [0], [1], [0, 0, 1, 1], [], []>, transpose_lhs_hint = false} : vector<200x200xf32>, vector<200x128xf32>, vector<200x128xf32> -> vector<200x128xf32>
    %select_n3A_270 = arith.select %eq3A_262, %dot_general3A_269, %select_n3A_259 : vector<200x128xi1>, vector<200x128xf32>
    %eq3A_271 = arith.constant 7 : i32
    %eq3A_272 = vector.broadcast %eq3A_271 : i32 to vector<200x128xi32>
    %eq3A_273 = arith.cmpi eq, %select_n3A, %eq3A_272 : vector<200x128xi32>
    %get3A_274 = arith.constant 7 : index
    %get3A_275 = arith.constant 0 : index
    %get3A_276 = arith.constant 0 : index
    %get3A_277 = vector.load %arg2[%get3A_274, %get3A_275, %get3A_276] : memref<8x200x200xf32, #tpu.memory_space<vmem>>, vector<1x200x200xf32>
    %get3A_278 = vector.shape_cast %get3A_277 : vector<1x200x200xf32> to vector<200x200xf32>
    %dot_general3A_279 = arith.constant dense<0.000000e+00> : vector<200x128xf32>
    %dot_general3A_280 = tpu.matmul %get3A_278, %max3A_191, %dot_general3A_279 {dimension_numbers = #tpu.dot_dimension_numbers<[1], [0], [0], [1], [0, 0, 1, 1], [], []>, transpose_lhs_hint = false} : vector<200x200xf32>, vector<200x128xf32>, vector<200x128xf32> -> vector<200x128xf32>
    %select_n3A_281 = arith.select %eq3A_273, %dot_general3A_280, %select_n3A_270 : vector<200x128xi1>, vector<200x128xf32>
    %get3A_282 = arith.constant 1 : index
    %get3A_283 = arith.constant 0 : index
    %get3A_284 = arith.constant 0 : index
    %get3A_285 = vector.load %arg4[%get3A_282, %get3A_283, %get3A_284] : memref<2x128x128xf32, #tpu.memory_space<vmem>>, vector<1x128x128xf32>
    %get3A_286 = vector.shape_cast %get3A_285 : vector<1x128x128xf32> to vector<128x128xf32>
    %dot_general3A_287 = arith.constant dense<0.000000e+00> : vector<200x128xf32>
    %dot_general3A_288 = tpu.matmul %select_n3A_281, %get3A_286, %dot_general3A_287 {dimension_numbers = #tpu.dot_dimension_numbers<[1], [0], [0], [1], [0, 0, 1, 1], [], []>, transpose_lhs_hint = false} : vector<200x128xf32>, vector<128x128xf32>, vector<200x128xf32> -> vector<200x128xf32>
    %get3A_289 = arith.constant 1 : index
    %get3A_290 = arith.constant 0 : index
    %get3A_291 = arith.constant 0 : index
    %get3A_292 = vector.load %arg5[%get3A_289, %get3A_290, %get3A_291] : memref<2x128x128xf32, #tpu.memory_space<vmem>>, vector<1x128x128xf32>
    %get3A_293 = vector.shape_cast %get3A_292 : vector<1x128x128xf32> to vector<128x128xf32>
    %dot_general3A_294 = arith.constant dense<0.000000e+00> : vector<200x128xf32>
    %dot_general3A_295 = tpu.matmul %max3A_191, %get3A_293, %dot_general3A_294 {dimension_numbers = #tpu.dot_dimension_numbers<[1], [0], [0], [1], [0, 0, 1, 1], [], []>, transpose_lhs_hint = false} : vector<200x128xf32>, vector<128x128xf32>, vector<200x128xf32> -> vector<200x128xf32>
    %add3A_296 = arith.addf %dot_general3A_288, %dot_general3A_295 : vector<200x128xf32>
    %logistic3A_297 = arith.negf %add3A_296 : vector<200x128xf32>
    %logistic3A_298 = math.exp %logistic3A_297 : vector<200x128xf32>
    %logistic3A_299 = arith.constant 1.000000e+00 : f32
    %logistic3A_300 = vector.broadcast %logistic3A_299 : f32 to vector<200x128xf32>
    %logistic3A_301 = arith.addf %logistic3A_300, %logistic3A_298 : vector<200x128xf32>
    %logistic3A_302 = arith.divf %logistic3A_300, %logistic3A_301 : vector<200x128xf32>
    %get3A_303 = arith.constant 1 : index
    %get3A_304 = arith.constant 0 : index
    %get3A_305 = arith.constant 0 : index
    %get3A_306 = vector.load %arg6[%get3A_303, %get3A_304, %get3A_305] : memref<2x128x128xf32, #tpu.memory_space<vmem>>, vector<1x128x128xf32>
    %get3A_307 = vector.shape_cast %get3A_306 : vector<1x128x128xf32> to vector<128x128xf32>
    %dot_general3A_308 = arith.constant dense<0.000000e+00> : vector<200x128xf32>
    %dot_general3A_309 = tpu.matmul %select_n3A_281, %get3A_307, %dot_general3A_308 {dimension_numbers = #tpu.dot_dimension_numbers<[1], [0], [0], [1], [0, 0, 1, 1], [], []>, transpose_lhs_hint = false} : vector<200x128xf32>, vector<128x128xf32>, vector<200x128xf32> -> vector<200x128xf32>
    %get3A_310 = arith.constant 1 : index
    %get3A_311 = arith.constant 0 : index
    %get3A_312 = arith.constant 0 : index
    %get3A_313 = vector.load %arg7[%get3A_310, %get3A_311, %get3A_312] : memref<2x128x128xf32, #tpu.memory_space<vmem>>, vector<1x128x128xf32>
    %get3A_314 = vector.shape_cast %get3A_313 : vector<1x128x128xf32> to vector<128x128xf32>
    %dot_general3A_315 = arith.constant dense<0.000000e+00> : vector<200x128xf32>
    %dot_general3A_316 = tpu.matmul %max3A_191, %get3A_314, %dot_general3A_315 {dimension_numbers = #tpu.dot_dimension_numbers<[1], [0], [0], [1], [0, 0, 1, 1], [], []>, transpose_lhs_hint = false} : vector<200x128xf32>, vector<128x128xf32>, vector<200x128xf32> -> vector<200x128xf32>
    %add3A_317 = arith.addf %dot_general3A_309, %dot_general3A_316 : vector<200x128xf32>
    %logistic3A_318 = arith.negf %add3A_317 : vector<200x128xf32>
    %logistic3A_319 = math.exp %logistic3A_318 : vector<200x128xf32>
    %logistic3A_320 = arith.constant 1.000000e+00 : f32
    %logistic3A_321 = vector.broadcast %logistic3A_320 : f32 to vector<200x128xf32>
    %logistic3A_322 = arith.addf %logistic3A_321, %logistic3A_319 : vector<200x128xf32>
    %logistic3A_323 = arith.divf %logistic3A_321, %logistic3A_322 : vector<200x128xf32>
    %get3A_324 = arith.constant 1 : index
    %get3A_325 = arith.constant 0 : index
    %get3A_326 = arith.constant 0 : index
    %get3A_327 = vector.load %arg8[%get3A_324, %get3A_325, %get3A_326] : memref<2x128x128xf32, #tpu.memory_space<vmem>>, vector<1x128x128xf32>
    %get3A_328 = vector.shape_cast %get3A_327 : vector<1x128x128xf32> to vector<128x128xf32>
    %dot_general3A_329 = arith.constant dense<0.000000e+00> : vector<200x128xf32>
    %dot_general3A_330 = tpu.matmul %select_n3A_281, %get3A_328, %dot_general3A_329 {dimension_numbers = #tpu.dot_dimension_numbers<[1], [0], [0], [1], [0, 0, 1, 1], [], []>, transpose_lhs_hint = false} : vector<200x128xf32>, vector<128x128xf32>, vector<200x128xf32> -> vector<200x128xf32>
    %mul3A_331 = arith.mulf %logistic3A_323, %max3A_191 : vector<200x128xf32>
    %get3A_332 = arith.constant 1 : index
    %get3A_333 = arith.constant 0 : index
    %get3A_334 = arith.constant 0 : index
    %get3A_335 = vector.load %arg9[%get3A_332, %get3A_333, %get3A_334] : memref<2x128x128xf32, #tpu.memory_space<vmem>>, vector<1x128x128xf32>
    %get3A_336 = vector.shape_cast %get3A_335 : vector<1x128x128xf32> to vector<128x128xf32>
    %dot_general3A_337 = arith.constant dense<0.000000e+00> : vector<200x128xf32>
    %dot_general3A_338 = tpu.matmul %mul3A_331, %get3A_336, %dot_general3A_337 {dimension_numbers = #tpu.dot_dimension_numbers<[1], [0], [0], [1], [0, 0, 1, 1], [], []>, transpose_lhs_hint = false} : vector<200x128xf32>, vector<128x128xf32>, vector<200x128xf32> -> vector<200x128xf32>
    %add3A_339 = arith.addf %dot_general3A_330, %dot_general3A_338 : vector<200x128xf32>
    %tanh3A_340 = math.tanh %add3A_339 : vector<200x128xf32>
    %mul3A_341 = arith.mulf %tanh3A_340, %logistic3A_302 : vector<200x128xf32>
    %sub3A_342 = arith.constant 1.000000e+00 : f32
    %sub3A_343 = vector.broadcast %sub3A_342 : f32 to vector<200x128xf32>
    %sub3A_344 = arith.subf %sub3A_343, %logistic3A_302 : vector<200x128xf32>
    %mul3A_345 = arith.mulf %max3A_191, %sub3A_344 : vector<200x128xf32>
    %add3A_346 = arith.addf %mul3A_341, %mul3A_345 : vector<200x128xf32>
    %get3A_347 = arith.constant 0 : index
    %get3A_348 = arith.constant 0 : index
    %get3A_349 = vector.load %arg10[%get3A_347, %get3A_348] : memref<128x128xf32, #tpu.memory_space<vmem>>, vector<128x128xf32>
    %dot_general3A_350 = arith.constant dense<0.000000e+00> : vector<200x128xf32>
    %dot_general3A_351 = tpu.matmul %add3A_346, %get3A_349, %dot_general3A_350 {dimension_numbers = #tpu.dot_dimension_numbers<[1], [0], [0], [1], [0, 0, 1, 1], [], []>, transpose_lhs_hint = false} : vector<200x128xf32>, vector<128x128xf32>, vector<200x128xf32> -> vector<200x128xf32>
    %logistic3A_352 = arith.negf %dot_general3A_351 : vector<200x128xf32>
    %logistic3A_353 = math.exp %logistic3A_352 : vector<200x128xf32>
    %logistic3A_354 = arith.constant 1.000000e+00 : f32
    %logistic3A_355 = vector.broadcast %logistic3A_354 : f32 to vector<200x128xf32>
    %logistic3A_356 = arith.addf %logistic3A_355, %logistic3A_353 : vector<200x128xf32>
    %logistic3A_357 = arith.divf %logistic3A_355, %logistic3A_356 : vector<200x128xf32>
    %get3A_358 = arith.constant 0 : index
    %get3A_359 = arith.constant 0 : index
    %get3A_360 = vector.load %arg11[%get3A_358, %get3A_359] : memref<128x128xf32, #tpu.memory_space<vmem>>, vector<128x128xf32>
    %dot_general3A_361 = arith.constant dense<0.000000e+00> : vector<200x128xf32>
    %dot_general3A_362 = tpu.matmul %add3A_346, %get3A_360, %dot_general3A_361 {dimension_numbers = #tpu.dot_dimension_numbers<[1], [0], [0], [1], [0, 0, 1, 1], [], []>, transpose_lhs_hint = false} : vector<200x128xf32>, vector<128x128xf32>, vector<200x128xf32> -> vector<200x128xf32>
    %tanh3A_363 = math.tanh %dot_general3A_362 : vector<200x128xf32>
    %mul3A_364 = arith.mulf %logistic3A_357, %tanh3A_363 : vector<200x128xf32>
    %reduce_sum3A = arith.constant dense<0.000000e+00> : vector<128xf32>
    %reduce_sum3A_365 = vector.multi_reduction <add>, %mul3A_364, %reduce_sum3A [0] : vector<200x128xf32> to vector<128xf32>
    %broadcast_in_dim3A_366 = vector.shape_cast %reduce_sum3A_365 : vector<128xf32> to vector<1x128xf32>
    %mul3A_367 = arith.constant 5.000000e-03 : f32
    %mul3A_368 = vector.broadcast %mul3A_367 : f32 to vector<1x128xf32>
    %mul3A_369 = arith.mulf %broadcast_in_dim3A_366, %mul3A_368 : vector<1x128xf32>
    %reduce_max3A = arith.constant dense<0xFF800000> : vector<128xf32>
    %reduce_max3A_370 = vector.multi_reduction <maximumf>, %mul3A_364, %reduce_max3A [0] : vector<200x128xf32> to vector<128xf32>
    %broadcast_in_dim3A_371 = vector.shape_cast %reduce_max3A_370 : vector<128xf32> to vector<1x128xf32>
    %add3A_372 = arith.addf %mul3A_369, %broadcast_in_dim3A_371 : vector<1x128xf32>
    %get3A_373 = arith.constant 0 : index
    %get3A_374 = arith.constant 0 : index
    %get3A_375 = vector.load %arg12[%get3A_373, %get3A_374] : memref<128x64xf32, #tpu.memory_space<vmem>>, vector<128x64xf32>
    %dot_general3A_376 = arith.constant dense<0.000000e+00> : vector<1x64xf32>
    %dot_general3A_377 = tpu.matmul %add3A_372, %get3A_375, %dot_general3A_376 {dimension_numbers = #tpu.dot_dimension_numbers<[1], [0], [0], [1], [0, 0, 1, 1], [], []>, transpose_lhs_hint = false} : vector<1x128xf32>, vector<128x64xf32>, vector<1x64xf32> -> vector<1x64xf32>
    %reshape3A = vector.shape_cast %dot_general3A_377 : vector<1x64xf32> to vector<1x1x64xf32>
    %swap3A = arith.constant 0 : index
    %swap3A_378 = arith.constant 0 : index
    %swap3A_379 = arith.constant 0 : index
    %swap3A_380 = vector.load %arg13[%swap3A, %swap3A_378, %swap3A_379] : memref<1x1x64xf32, #tpu.memory_space<vmem>>, vector<1x1x64xf32>
    tpu.vector_store %arg13[%swap3A, %swap3A_378, %swap3A_379], %reshape3A {strides = array<i32>} : memref<1x1x64xf32, #tpu.memory_space<vmem>>, vector<1x1x64xf32>,
    return
  }
  func.func @transform_0(%arg0: i32) -> (i32, i32) {
    %c0_i32 = arith.constant 0 : i32
    %c0_i32_0 = arith.constant 0 : i32
    return %arg0, %c0_i32 : i32, i32
  }
  func.func @transform_1(%arg0: i32) -> (i32, i32, i32) {
    %c0_i32 = arith.constant 0 : i32
    %c0_i32_0 = arith.constant 0 : i32
    %c0_i32_1 = arith.constant 0 : i32
    return %arg0, %c0_i32, %c0_i32_0 : i32, i32, i32
  }
  func.func @transform_2(%arg0: i32) -> (i32, i32, i32) {
    %c0_i32 = arith.constant 0 : i32
    %c0_i32_0 = arith.constant 0 : i32
    %c0_i32_1 = arith.constant 0 : i32
    %c0_i32_2 = arith.constant 0 : i32
    return %c0_i32, %c0_i32_0, %c0_i32_1 : i32, i32, i32
  }
  func.func @transform_3(%arg0: i32) -> (i32, i32, i32) {
    %c0_i32 = arith.constant 0 : i32
    %c0_i32_0 = arith.constant 0 : i32
    %c0_i32_1 = arith.constant 0 : i32
    %c0_i32_2 = arith.constant 0 : i32
    return %c0_i32, %c0_i32_0, %c0_i32_1 : i32, i32, i32
  }
  func.func @transform_4(%arg0: i32) -> (i32, i32, i32) {
    %c0_i32 = arith.constant 0 : i32
    %c0_i32_0 = arith.constant 0 : i32
    %c0_i32_1 = arith.constant 0 : i32
    %c0_i32_2 = arith.constant 0 : i32
    return %c0_i32, %c0_i32_0, %c0_i32_1 : i32, i32, i32
  }
  func.func @transform_5(%arg0: i32) -> (i32, i32, i32) {
    %c0_i32 = arith.constant 0 : i32
    %c0_i32_0 = arith.constant 0 : i32
    %c0_i32_1 = arith.constant 0 : i32
    %c0_i32_2 = arith.constant 0 : i32
    return %c0_i32, %c0_i32_0, %c0_i32_1 : i32, i32, i32
  }
  func.func @transform_6(%arg0: i32) -> (i32, i32, i32) {
    %c0_i32 = arith.constant 0 : i32
    %c0_i32_0 = arith.constant 0 : i32
    %c0_i32_1 = arith.constant 0 : i32
    %c0_i32_2 = arith.constant 0 : i32
    return %c0_i32, %c0_i32_0, %c0_i32_1 : i32, i32, i32
  }
  func.func @transform_7(%arg0: i32) -> (i32, i32, i32) {
    %c0_i32 = arith.constant 0 : i32
    %c0_i32_0 = arith.constant 0 : i32
    %c0_i32_1 = arith.constant 0 : i32
    %c0_i32_2 = arith.constant 0 : i32
    return %c0_i32, %c0_i32_0, %c0_i32_1 : i32, i32, i32
  }
  func.func @transform_8(%arg0: i32) -> (i32, i32, i32) {
    %c0_i32 = arith.constant 0 : i32
    %c0_i32_0 = arith.constant 0 : i32
    %c0_i32_1 = arith.constant 0 : i32
    %c0_i32_2 = arith.constant 0 : i32
    return %c0_i32, %c0_i32_0, %c0_i32_1 : i32, i32, i32
  }
  func.func @transform_9(%arg0: i32) -> (i32, i32) {
    %c0_i32 = arith.constant 0 : i32
    %c0_i32_0 = arith.constant 0 : i32
    %c0_i32_1 = arith.constant 0 : i32
    return %c0_i32, %c0_i32_0 : i32, i32
  }
  func.func @transform_10(%arg0: i32) -> (i32, i32) {
    %c0_i32 = arith.constant 0 : i32
    %c0_i32_0 = arith.constant 0 : i32
    %c0_i32_1 = arith.constant 0 : i32
    return %c0_i32, %c0_i32_0 : i32, i32
  }
  func.func @transform_11(%arg0: i32) -> (i32, i32) {
    %c0_i32 = arith.constant 0 : i32
    %c0_i32_0 = arith.constant 0 : i32
    %c0_i32_1 = arith.constant 0 : i32
    return %c0_i32, %c0_i32_0 : i32, i32
  }
  func.func @transform_12(%arg0: i32) -> (i32, i32, i32) {
    %c0_i32 = arith.constant 0 : i32
    %c0_i32_0 = arith.constant 0 : i32
    %c0_i32_1 = arith.constant 0 : i32
    return %arg0, %c0_i32, %c0_i32_0 : i32, i32, i32
  }
}

</mosaic_0001>

<sc_bundles>
// kernel: kernel.4.cloned.1.call-start
scs
__scs_entry_jumppad:
0x0: {  	(pc) =	sbr.rel $0x88, $3  }
0x1: {  	(tag) =	ssettag $0x0;
	lr =	simm.s32 $0x1  }
0x2: {  	[smem:$0x3F94] =	sst lr;
	_ =	strace $0xD0000000  }
0x3: {  	_ = 	snop  }
0x4: {  	_ = 	snop  }
0x5: {  	_ = 	snop  }
0x6: {  	_ = 	snop  }
0x7: {  	_ = 	snop  }
__scs_overlays_trampoline_lowered:
0x8: {  	[smem:$0x3FA3] =	sst s0  }
0x9: {  	[smem:$0x3FA4] =	sst s1  }
0xa: {  	[smem:$0x3FA5] =	sst s2  }
0xb: {  	[smem:$0x3FA6] =	sst s3  }
0xc: {  	[smem:$0x3FA7] =	sst s4  }
0xd: {  	[smem:$0x3FA8] =	sst s5  }
0xe: {  	[smem:$0x3FA9] =	sst s6  }
0xf: {  	[smem:$0x3FAA] =	sst s7  }
0x10: {  	[smem:$0x3FAB] =	sst s8  }
0x11: {  	[smem:$0x3FAC] =	sst s9;
	s0 =	simm.s32 @!p0 $0x0  }
0x12: {  	s1 =	sld [smem:$0x3F92];
	s0 =	simm.s32 @p0 $0x1  }
0x13: {  	[smem:$0x3FAD] =	sst s0;
	s0 =	simm.s32 @!p1 $0x0  }
0x14: {  	s2 =	sld [smem:$0x3F91];
	s0 =	simm.s32 @p1 $0x1  }
0x15: {  	[smem:$0x3FAE] =	sst s0;
	s0 =	simm.s32 @!p2 $0x0  }
0x16: {  	s3 =	sld [smem:$0x3FDB];
	s0 =	simm.s32 @p2 $0x1  }
0x17: {  	s4 =	simm.s32 $0x1BF5;
	[smem:$0x3FB0] =	sst s0  }
0x18: {  	s0 =	sld [smem:$0x3F93];
	_ =	swait.ge [sflag:s4], $0x0  }
0x19: {  	s7 =	sld [smem:$0x3F94]  }
0x1a: {  	s8 =	sadd.s32 $0xFFFFE003, lr  }
0x1b: {  	s9 =	sadd.s32 $0xFFFFFEF7, lr;
	s5 =	simm.s32 $0xFFFFFFFF;
	p2 =	slt.u32 s8, $0xFFFFF086  }
0x1c: {  	p1 =	slt.u32 s9, $0xF7A;
	s5 =	simm.s32 @!p2 $0x0  }
0x1d: {  	s5 =	simm.s32 @p1 $0x1;
	p0 =	seq.s32 s7, s2  }
0x1e: {  	s7 =	smul.u32 @!p0 $0xF7A, s2;
	p2 =	seq.s32 @!p0 s5, $0x0  }
0x1f: {  	s9 =	smul.u32 $0xF7A, s1;
	s8 =	simm.s32 @!p0 $0x1BF5;
	p2 =	por !p2, p0  }
0x20: {  	[sflag:s8] =	ssyncset.s32 @!p0 $0xFFFFF086;
	s6 =	sadd.s32 @!p0 s3, s7;
	s7 =	simm.s32 @!p0 $0x108  }
0x21: {  	s3 =	sadd.s32 s3, s9;
	s6 =	sadd.s32 @!p0 $0x88, s6;
	s7 =	simm.s32 @p2 $0x1082  }
0x22: {  	[simem:s7], [sflag:s8] =	dma.local @!p0 [hbm:s6], $0xF7A  }
0x23: {  	s9 =	sor.u32 $0xD0000000, s2;
	s6 =	simm.s32 $0x108;
	_ =	swait.ge @!p0 [sflag:s8], $0x0  }
0x24: {  	s3 =	sadd.s32 $0x88, s3;
	s6 =	simm.s32 @!p1 $0x1082;
	[sflag:s4] =	ssyncset.s32 $0xFFFFF086  }
0x25: {  	[simem:s6], [sflag:s4] =	dma.local [hbm:s3], $0xF7A  }
0x26: {  	[smem:$0x3F94] =	sst s1;
	(tag) =	ssettag s2;
	_ =	strace s9  }
0x27: {  	s1 =	sld [smem:$0x3FA4]  }
0x28: {  	s2 =	sld [smem:$0x3FA5]  }
0x29: {  	s4 =	sld [smem:$0x3FA7]  }
0x2a: {  	p0 =	seq.s32 s5, $0x0;
	s5 =	sld [smem:$0x3FA8]  }
0x2b: {  	s6 =	sld [smem:$0x3FA9]  }
0x2c: {  	s7 =	sld [smem:$0x3FAA]  }
0x2d: {  	s3 =	simm.s32 $0x108;
	s8 =	sld [smem:$0x3FAB]  }
0x2e: {  	s3 =	simm.s32 @!p0 $0x1082;
	s9 =	sld [smem:$0x3FAC]  }
0x2f: {  	lr =	sadd.s32 s0, s3;
	s0 =	sld [smem:$0x3FA3]  }
0x30: {  	s3 =	sld [smem:$0x3FA6]  }
0x31: {  	[smem:$0x3FAF] =	sst s10  }
0x32: {  	s10 =	sld [smem:$0x3FAD];
	_ =	sdelay $0x3  }
0x33: {  	p0 =	seq.s32 s10, $0x1;
	s10 =	sld [smem:$0x3FAF];
	_ =	sdelay $0x3  }
0x34: {  	[smem:$0x3FAF] =	sst s10  }
0x35: {  	s10 =	sld [smem:$0x3FAE];
	_ =	sdelay $0x3  }
0x36: {  	p1 =	seq.s32 s10, $0x1;
	s10 =	sld [smem:$0x3FAF];
	_ =	sdelay $0x3  }
0x37: {  	[smem:$0x3FAF] =	sst s10  }
0x38: {  	s10 =	sld [smem:$0x3FB0]  }
0x39: {  	_ = 	snop;
	(pc) =	sbr.ind lr, $3  }
0x3a: {  	_ = 	snop  }
0x3b: {  	_ = 	snop  }
0x3c: {  	p2 =	seq.s32 s10, $0x1;
	s10 =	sld [smem:$0x3FAF]  }
0x3d: {  	_ =	shalt  }
0x3e: {  	_ =	shalt  }
0x3f: {  	_ =	shalt  }
0x40: {  	_ =	shalt  }
0x41: {  	_ =	shalt  }
0x42: {  	_ =	shalt  }
0x43: {  	_ =	shalt  }
0x44: {  	_ =	shalt  }
0x45: {  	_ =	shalt  }
0x46: {  	_ =	shalt  }
0x47: {  	_ =	shalt  }
0x48: {  	_ =	shalt  }
0x49: {  	_ =	shalt  }
0x4a: {  	_ =	shalt  }
0x4b: {  	_ =	shalt  }
0x4c: {  	_ =	shalt  }
0x4d: {  	_ =	shalt  }
0x4e: {  	_ =	shalt  }
0x4f: {  	_ =	shalt  }
0x50: {  	_ =	shalt  }
0x51: {  	_ =	shalt  }
0x52: {  	_ =	shalt  }
0x53: {  	_ =	shalt  }
0x54: {  	_ =	shalt  }
0x55: {  	_ =	shalt  }
0x56: {  	_ =	shalt  }
0x57: {  	_ =	shalt  }
0x58: {  	_ =	shalt  }
0x59: {  	_ =	shalt  }
0x5a: {  	_ =	shalt  }
0x5b: {  	_ =	shalt  }
0x5c: {  	_ =	shalt  }
0x5d: {  	_ =	shalt  }
0x5e: {  	_ =	shalt  }
0x5f: {  	_ =	shalt  }
0x60: {  	_ =	shalt  }
0x61: {  	_ =	shalt  }
0x62: {  	_ =	shalt  }
0x63: {  	_ =	shalt  }
0x64: {  	_ =	shalt  }
0x65: {  	_ =	shalt  }
0x66: {  	_ =	shalt  }
0x67: {  	_ =	shalt  }
0x68: {  	_ =	shalt  }
0x69: {  	_ =	shalt  }
0x6a: {  	_ =	shalt  }
0x6b: {  	_ =	shalt  }
0x6c: {  	_ =	shalt  }
0x6d: {  	_ =	shalt  }
0x6e: {  	_ =	shalt  }
0x6f: {  	_ =	shalt  }
0x70: {  	_ =	shalt  }
0x71: {  	_ =	shalt  }
0x72: {  	_ =	shalt  }
0x73: {  	_ =	shalt  }
0x74: {  	_ =	shalt  }
0x75: {  	_ =	shalt  }
0x76: {  	_ =	shalt  }
0x77: {  	_ =	shalt  }
0x78: {  	_ =	shalt  }
0x79: {  	_ =	shalt  }
0x7a: {  	_ =	shalt  }
0x7b: {  	_ =	shalt  }
0x7c: {  	_ =	shalt  }
0x7d: {  	_ =	shalt  }
0x7e: {  	_ =	shalt  }
0x7f: {  	_ =	shalt  }
0x80: {  	_ =	shalt  }
0x81: {  	_ =	shalt  }
0x82: {  	_ =	shalt  }
0x83: {  	_ =	shalt  }
0x84: {  	_ =	shalt  }
0x85: {  	_ =	shalt  }
0x86: {  	_ =	shalt  }
0x87: {  	_ =	shalt  }
.Lfunc_end0:
.L_simem_size_0:
called_computation_lowered:
.L_overlay_start_0:
0x88: {  	s2 =	sld [smem:$0x3FD9]  }
0x89: {  	s3 =	sld [smem:$0x3FFE];
	_ =	sdelay $0x1  }
0x8a: {  	s1 =	srdreg.scid  }
0x8b: {  	s0 =	sand.u32 $0x1, s1  }
0x8c: {  	s16 =	sshll.u32 s0, $0xA;
	s2 =	sadd.s32 s3, s2  }
0x8d: {  	s2 =	sadd.s32 s2, s16  }
0x8e: {  	[smem:$0x3FBB] =	sst s2  }
0x8f: {  	_ = 	snop  }
0x90: {  	(tm) =	ssettm $0x1  }
0x91: {  	s17 =	sld [smem:$0x3FFB];
	_ =	sdelay $0x3  }
0x92: {  	_ =	strace s17  }
0x93: {  	s2 =	sld [smem:$0x3FFC];
	_ =	sdelay $0x3  }
0x94: {  	_ =	strace s2  }
0x95: {  	s2 =	sld [smem:$0x3FFD];
	_ =	sdelay $0x3  }
0x96: {  	_ =	strace s2  }
0x97: {  	_ =	strace $0x8FFFFFFF  }
0x98: {  	s18 =	sld [smem:$0x3FDB];
	_ =	sdelay $0x1  }
0x99: {  	s19 =	simm.s32 $_scs_section_size  }
0x9a: {  	s4 =	simm.s32 $_size__tile_overlayer_lowered;
	s5 =	simm.s32 $_tile_overlayer_lowered  }
0x9b: {  	s22 =	simm.s32 $0x1BFF;
	s21 =	sshll.u32 s5, $0x1;
	s2 =	sadd.s32 s19, s18  }
0x9c: {  	s6 =	simm.s32 $0x0;
	s20 =	sshll.u32 s4, $0x1;
	s4 =	sadd.s32 s21, s2  }
0x9d: {  	[timem:s6], [sflag:s22] =	dma.local [hbm:s4], s20  }
0x9e: {  	_ =	swait.ge [sflag:s22], s20  }
0x9f: {  	s3 =	ssub.s32 $0x0, s20;
	[sflag:s22] =	ssyncset.done $0x0  }
0xa0: {  	[sflag:s22] =	ssyncadd.s32 s3;
	_ =	sdelay $0x1  }
0xa1: {  	s23 =	simm.s32 $0x1B8B  }
0xa2: {  	_ =	swait.ge [sflag:s23], $0x1  }
0xa3: {  	[sflag:s23] =	ssyncset.done $0x0  }
0xa4: {  	s25 =	simm.s32 $0x1B8E;
	s24 =	sld [smem:$0x3FFE];
	[sflag:s23] =	ssyncadd.s32 $0xFFFFFFFF  }
0xa5: {  	s26 =	simm.s32 $execute0_lowered;
	[smem:$0x3FD2] =	sst s25  }
0xa6: {  	s4 =	sshll.u32 s26, $0x1;
	_ =	strace $0x80000046;
	[dreg:$0x1] =	wrdreg $0xFFFFFFFF  }
0xa7: {  	s28 =	simm.s32 $_size_execute0_lowered;
	s2 =	sadd.s32 s2, s4;
	[dreg:$0x0] =	wrdreg $0x0  }
0xa8: {  	s4 =	sshll.u32 s28, $0x1;
	[dreg:$0x2] =	wrdreg s2  }
0xa9: {  	[dreg:$0x3] =	wrdreg s4  }
0xaa: {  	[dreg:$0x4] =	wrdreg $0xC0  }
0xab: {  	_ =	task [dreg:s6], $0x5FFFF  }
0xac: {  	[dreg:$0x1] =	wrdreg $0xFFFFFFFF  }
0xad: {  	[dreg:$0x0] =	wrdreg $0x60  }
0xae: {  	[dreg:$0x2] =	wrdreg s24  }
0xaf: {  	[dreg:$0x3] =	wrdreg $0x9  }
0xb0: {  	_ =	task.clear_ibuf [dreg:s6], $0x4FFFF;
	_ =	strace $0x90000046  }
0xb1: {  	s29 =	simm.s32 $0x9;
	_ =	strace $0x80000048  }
0xb2: {  	_ =	swait.ge [sflag:s29], $0x1  }
0xb3: {  	[sflag:s29] =	ssyncadd.s32 $0xFFFFFFFF  }
0xb4: {  	_ =	strace $0x90000048  }
0xb5: {  	_ =	sfence  }
0xb6: {  	s30 =	sld [smem:$0x0];
	_ =	sdelay $0x2  }
0xb7: {  	s31 =	sshll.u32 s1, $0xD;
	s1 =	sshrl.u32 s1, $0x2  }
0xb8: {  	s3 =	sand.u32 $0x4000, s31;
	s1 =	sadd.s32 s1, s30  }
0xb9: {  	s0 =	sor.u32 s3, s0;
	s1 =	sshll.u32 s1, $0x11  }
0xba: {  	s0 =	sor.u32 s1, s0  }
0xbb: {  	s0 =	sadd.s32 $0x8F2B, s0  }
0xbc: {  	[sflag:s0] =	ssyncadd.remote.s32 $0x1  }
0xbd: {  	_ =	sfence.sel $0xFFFF  }
0xbe: {  	[dreg:$0x0] =	wrdreg $0xFFFFFFFF;
	(pc) =	sbr.abs _section_cstart, $3  }
0xbf: {  	[dreg:$0x1] =	wrdreg $0xFFFFFFFF  }
0xc0: {  	_ =	task.clear_ibuf [dreg:s6], $0x2FFFF;
	_ =	strace $0x9FFFFFFF  }
0xc1: {  	(tm) =	ssettm $0x7FFFFFFF  }
tec
execute0_lowered:
.L_overlay_start_1:
0x0: {  	(tag) =	ssettag $0x1  }
0x1: {  	s1 =	srdreg.scid;
	s0 =	stileid.u32  }
0x2: {  	s1 =	sand.u32 $0x1, s1;
	s2 =	sshll.u32 s0, $0x1  }
0x3: {  	s3 =	rddreg [dreg:$0x0];
	s4 =	sor.u32 s1, s2;
	s2 =	simm.s32 $0x0  }
0x4: {  	s21 =	simm.s32 $0x2100;
	[smem:$0x7FF] =	sst s2  }
0x5: {  	s22 =	simm.s32 $0x100;
	_ =	strace $0x80000047;
	[dreg:$0x4] =	wrdreg s21  }
0x6: {  	s23 =	simm.s32 $0x2900;
	[dreg:$0x5] =	wrdreg s22  }
0x7: {  	s24 =	simm.s32 $0x180;
	[dreg:$0x6] =	wrdreg s23  }
0x8: {  	s25 =	simm.s32 $0x3100;
	[dreg:$0x7] =	wrdreg s24  }
0x9: {  	s26 =	simm.s32 $0x200;
	[dreg:$0x8] =	wrdreg s25  }
0xa: {  	s0 =	simm.s32 $0x3900;
	[dreg:$0x9] =	wrdreg s26  }
0xb: {  	s6 =	simm.s32 $0x4100;
	[dreg:$0xa] =	wrdreg s0  }
0xc: {  	s7 =	simm.s32 $0x300;
	[dreg:$0xc] =	wrdreg s6  }
0xd: {  	s8 =	simm.s32 $0x4900;
	[dreg:$0xd] =	wrdreg s7  }
0xe: {  	s9 =	simm.s32 $0x380;
	[dreg:$0xe] =	wrdreg s8  }
0xf: {  	s10 =	simm.s32 $0x5100;
	[dreg:$0xf] =	wrdreg s9  }
0x10: {  	s11 =	simm.s32 $0x400;
	[dreg:$0x10] =	wrdreg s10  }
0x11: {  	s12 =	simm.s32 $0x5900;
	[dreg:$0x11] =	wrdreg s11  }
0x12: {  	s13 =	simm.s32 $0x480;
	[dreg:$0x12] =	wrdreg s12  }
0x13: {  	s14 =	simm.s32 $0x6100;
	[dreg:$0x13] =	wrdreg s13  }
0x14: {  	s15 =	simm.s32 $0x500;
	[dreg:$0x14] =	wrdreg s14  }
0x15: {  	s16 =	simm.s32 $0x6900;
	[dreg:$0x15] =	wrdreg s15  }
0x16: {  	s17 =	simm.s32 $0x580;
	[dreg:$0x16] =	wrdreg s16  }
0x17: {  	s18 =	simm.s32 $0x7100;
	[dreg:$0x17] =	wrdreg s17  }
0x18: {  	s19 =	simm.s32 $0x600;
	[dreg:$0x18] =	wrdreg s18  }
0x19: {  	s20 =	simm.s32 $0x7900;
	[dreg:$0x19] =	wrdreg s19  }
0x1a: {  	[dreg:$0x1a] =	wrdreg s20;
	s21 =	simm.s32 $0x680  }
0x1b: {  	s22 =	simm.s32 $0x8100;
	[dreg:$0x1b] =	wrdreg s21  }
0x1c: {  	s23 =	simm.s32 $0x700;
	[dreg:$0x1c] =	wrdreg s22  }
0x1d: {  	s24 =	simm.s32 $0x8900;
	[dreg:$0x1d] =	wrdreg s23  }
0x1e: {  	s25 =	simm.s32 $0x780;
	[dreg:$0x1e] =	wrdreg s24  }
0x1f: {  	s26 =	simm.s32 $0x9100;
	[dreg:$0x1f] =	wrdreg s25  }
0x20: {  	s0 =	simm.s32 $0x800;
	[smem:$0x7D0] =	sst s26  }
0x21: {  	s6 =	simm.s32 $0x880;
	[smem:$0x7D1] =	sst s0  }
0x22: {  	s7 =	simm.s32 $0xA100;
	[smem:$0x7D3] =	sst s6  }
0x23: {  	s8 =	simm.s32 $0x900;
	[smem:$0x7D4] =	sst s7  }
0x24: {  	s9 =	simm.s32 $0xA900;
	[smem:$0x7D5] =	sst s8  }
0x25: {  	s10 =	simm.s32 $0x980;
	[smem:$0x7D6] =	sst s9  }
0x26: {  	s11 =	simm.s32 $0xB100;
	[smem:$0x7D7] =	sst s10  }
0x27: {  	s12 =	simm.s32 $0xA00;
	[smem:$0x7D8] =	sst s11  }
0x28: {  	s13 =	simm.s32 $0xB900;
	[smem:$0x7D9] =	sst s12  }
0x29: {  	s14 =	simm.s32 $0xA80;
	[smem:$0x7DA] =	sst s13  }
0x2a: {  	s15 =	simm.s32 $0xC100;
	[smem:$0x7DB] =	sst s14  }
0x2b: {  	s16 =	simm.s32 $0xB00;
	[smem:$0x7DC] =	sst s15  }
0x2c: {  	s17 =	simm.s32 $0xC900;
	[smem:$0x7DD] =	sst s16  }
0x2d: {  	s18 =	simm.s32 $0xB80;
	[smem:$0x7DE] =	sst s17  }
0x2e: {  	s19 =	simm.s32 $0xD100;
	[smem:$0x7DF] =	sst s18  }
0x2f: {  	s20 =	simm.s32 $0xC00;
	[smem:$0x7E0] =	sst s19  }
0x30: {  	[smem:$0x7E1] =	sst s20;
	s21 =	simm.s32 $0xD900  }
0x31: {  	s22 =	simm.s32 $0xC80;
	[smem:$0x7E2] =	sst s21  }
0x32: {  	s23 =	simm.s32 $0xE100;
	[smem:$0x7E3] =	sst s22  }
0x33: {  	s24 =	simm.s32 $0xD00;
	[smem:$0x7E4] =	sst s23  }
0x34: {  	s25 =	simm.s32 $0xE900;
	[smem:$0x7E5] =	sst s24  }
0x35: {  	s26 =	simm.s32 $0xD80;
	[smem:$0x7E6] =	sst s25  }
0x36: {  	s0 =	simm.s32 $0xF100;
	[smem:$0x7E7] =	sst s26  }
0x37: {  	s6 =	simm.s32 $0xF900;
	[smem:$0x7E8] =	sst s0  }
0x38: {  	s7 =	simm.s32 $0xE80;
	[smem:$0x7EA] =	sst s6  }
0x39: {  	s8 =	simm.s32 $0x10100;
	[smem:$0x7EB] =	sst s7  }
0x3a: {  	s28 =	simm.s32 $0x1800;
	s9 =	simm.s32 $0xF00;
	[smem:$0x7EC] =	sst s8  }
0x3b: {  	s29 =	simm.s32 $0x19900;
	s10 =	simm.s32 $0x10900;
	[smem:$0x7ED] =	sst s9  }
0x3c: {  	s30 =	simm.s32 $0x1880;
	s11 =	simm.s32 $0xF80;
	[smem:$0x7EE] =	sst s10  }
0x3d: {  	s31 =	simm.s32 $0x1A100;
	s12 =	simm.s32 $0x11100;
	[smem:$0x7EF] =	sst s11  }
0x3e: {  	s1 =	ssub.s32 $0x2, s1;
	s13 =	simm.s32 $0x1000;
	[smem:$0x7F0] =	sst s12  }
0x3f: {  	s5 =	smul.u32 $0x320, s4;
	s14 =	simm.s32 $0x11900;
	[smem:$0x7F1] =	sst s13  }
0x40: {  	s4 =	smul.u32 $0x3200, s4;
	s15 =	simm.s32 $0x1080;
	[smem:$0x7F2] =	sst s14  }
0x41: {  	s5 =	sadd.s32 s5, s3;
	s16 =	simm.s32 $0x12100;
	[smem:$0x7F3] =	sst s15  }
0x42: {  	s4 =	sadd.s32 s4, s3;
	s17 =	simm.s32 $0x1100;
	[smem:$0x7F4] =	sst s16  }
0x43: {  	s18 =	simm.s32 $0x12900;
	s19 =	simm.s32 $0x1180;
	[smem:$0x7F5] =	sst s17  }
0x44: {  	s3 =	sadd.s32 $0xF44000, s3;
	s20 =	simm.s32 $0x13100;
	[smem:$0x7F6] =	sst s18  }
0x45: {  	s5 =	sadd.s32 $0x1C00, s5;
	s4 =	sadd.s32 $0x8000, s4;
	[smem:$0x7F7] =	sst s19  }
0x46: {  	[smem:$0x7F8] =	sst s20;
	s21 =	simm.s32 $0x1200;
	s22 =	sshrl.u32 s1, $0x1  }
0x47: {  	s23 =	simm.s32 $0x13900;
	s24 =	simm.s32 $0x1280;
	s25 =	simm.s32 $0x14100  }
0x48: {  	s26 =	simm.s32 $0x1300;
	s6 =	simm.s32 $0x80;
	s7 =	simm.s32 $0x1900  }
0x49: {  	s11 =	simm.s32 $0x1400;
	s12 =	simm.s32 $0x15900;
	[dreg:$0x2] =	wrdreg s5  }
0x4a: {  	s13 =	simm.s32 $0x1480;
	s14 =	simm.s32 $0x16100;
	[dreg:$0x3] =	wrdreg s4  }
0x4b: {  	s15 =	simm.s32 $0x1500;
	s16 =	simm.s32 $0x16900;
	[smem:$0x7F9] =	sst s21  }
0x4c: {  	s17 =	simm.s32 $0x1580;
	s18 =	simm.s32 $0x17100;
	[smem:$0x7FA] =	sst s23  }
0x4d: {  	s19 =	simm.s32 $0x1600;
	s20 =	simm.s32 $0x17900;
	[smem:$0x7FB] =	sst s24  }
0x4e: {  	s5 =	simm.s32 $0x280;
	s1 =	ssub.s32 s1, s22;
	[smem:$0x7FC] =	sst s25  }
0x4f: {  	[smem:$0x7FD] =	sst s26;
	s21 =	simm.s32 $0x1680;
	s22 =	simm.s32 $0x18100  }
0x50: {  	s23 =	simm.s32 $0x1700;
	s24 =	simm.s32 $0x18900;
	s25 =	simm.s32 $0x1780  }
0x51: {  	s26 =	simm.s32 $0x19100;
	[dreg:$0xb] =	wrdreg s5;
	s5 =	simm.s32 $0x9900  }
0x52: {  	s4 =	smax.u32 s1, $0x1;
	[smem:$0x7D2] =	sst s5;
	s5 =	simm.s32 $0xE00  }
0x53: {  	s1 =	simm.s32 $0x1;
	[smem:$0x7E9] =	sst s5;
	s5 =	simm.s32 $0x2  }
.LBB2_1:
0x54: {  	s0 =	rddreg [dreg:$0x2]  }
0x55: {  	[tilespmem:s2], [sflag:$0x2] =	stream.linear.gather [hbm4b:s0+s2], $0x1900, $0x38;
	[tilespmem:$0x1A900] =	vst v63  }
0x56: {  	_ =	swait.ge [sflag:s5], $0x1900  }
0x57: {  	s10 =	rddreg [dreg:$0x4]  }
0x58: {  	[sflag:s5] =	ssyncset.done $0x0;
	s0 =	rddreg [dreg:$0x5]  }
0x59: {  	s8 =	rddreg [dreg:$0x6];
	[sflag:s5] =	ssyncadd.s32 $0xFFFFE700  }
0x5a: {  	[tilespmem:s7], [sflag:$0x1] =	stream.indirect.gather [hbm4b:s3+s6], $0x10, s2, s6, $0xb8;
	[tilespmem:$0x1A900] =	vst v63  }
0x5b: {  	s9 =	rddreg [dreg:$0x7]  }
0x5c: {  	[tilespmem:s10], [sflag:$0x1] =	stream.indirect.gather [hbm4b:s3+s6], $0x10, s6, s6, $0xb8;
	[tilespmem:$0x1A900] =	vst v63  }
0x5d: {  	s10 =	rddreg [dreg:$0x8]  }
0x5e: {  	[tilespmem:s8], [sflag:$0x1] =	stream.indirect.gather [hbm4b:s3+s6], $0x10, s0, s6, $0xb8;
	[tilespmem:$0x1A900] =	vst v63  }
0x5f: {  	s0 =	rddreg [dreg:$0x9]  }
0x60: {  	s8 =	rddreg [dreg:$0xa]  }
0x61: {  	[tilespmem:s10], [sflag:$0x1] =	stream.indirect.gather [hbm4b:s3+s6], $0x10, s9, s6, $0xb8;
	[tilespmem:$0x1A900] =	vst v63  }
0x62: {  	s9 =	rddreg [dreg:$0xb]  }
0x63: {  	s10 =	rddreg [dreg:$0xc]  }
0x64: {  	[tilespmem:s8], [sflag:$0x1] =	stream.indirect.gather [hbm4b:s3+s6], $0x10, s0, s6, $0xb8;
	[tilespmem:$0x1A900] =	vst v63  }
0x65: {  	s0 =	rddreg [dreg:$0xd]  }
0x66: {  	s8 =	rddreg [dreg:$0xe]  }
0x67: {  	[tilespmem:s10], [sflag:$0x1] =	stream.indirect.gather [hbm4b:s3+s6], $0x10, s9, s6, $0xb8;
	[tilespmem:$0x1A900] =	vst v63  }
0x68: {  	s9 =	rddreg [dreg:$0xf]  }
0x69: {  	s10 =	rddreg [dreg:$0x10]  }
0x6a: {  	[tilespmem:s8], [sflag:$0x1] =	stream.indirect.gather [hbm4b:s3+s6], $0x10, s0, s6, $0xb8;
	[tilespmem:$0x1A900] =	vst v63  }
0x6b: {  	s0 =	rddreg [dreg:$0x11]  }
0x6c: {  	s8 =	rddreg [dreg:$0x12]  }
0x6d: {  	[tilespmem:s10], [sflag:$0x1] =	stream.indirect.gather [hbm4b:s3+s6], $0x10, s9, s6, $0xb8;
	[tilespmem:$0x1A900] =	vst v63  }
0x6e: {  	s9 =	rddreg [dreg:$0x13]  }
0x6f: {  	s10 =	rddreg [dreg:$0x14]  }
0x70: {  	[tilespmem:s8], [sflag:$0x1] =	stream.indirect.gather [hbm4b:s3+s6], $0x10, s0, s6, $0xb8;
	[tilespmem:$0x1A900] =	vst v63  }
0x71: {  	s0 =	rddreg [dreg:$0x15]  }
0x72: {  	s8 =	rddreg [dreg:$0x16]  }
0x73: {  	[tilespmem:s10], [sflag:$0x1] =	stream.indirect.gather [hbm4b:s3+s6], $0x10, s9, s6, $0xb8;
	[tilespmem:$0x1A900] =	vst v63  }
0x74: {  	s9 =	rddreg [dreg:$0x17]  }
0x75: {  	s10 =	rddreg [dreg:$0x18]  }
0x76: {  	[tilespmem:s8], [sflag:$0x1] =	stream.indirect.gather [hbm4b:s3+s6], $0x10, s0, s6, $0xb8;
	[tilespmem:$0x1A900] =	vst v63  }
0x77: {  	s0 =	rddreg [dreg:$0x19]  }
0x78: {  	s8 =	rddreg [dreg:$0x1a]  }
0x79: {  	[tilespmem:s10], [sflag:$0x1] =	stream.indirect.gather [hbm4b:s3+s6], $0x10, s9, s6, $0xb8;
	[tilespmem:$0x1A900] =	vst v63  }
0x7a: {  	s9 =	rddreg [dreg:$0x1b]  }
0x7b: {  	s10 =	rddreg [dreg:$0x1c]  }
0x7c: {  	[tilespmem:s8], [sflag:$0x1] =	stream.indirect.gather [hbm4b:s3+s6], $0x10, s0, s6, $0xb8;
	[tilespmem:$0x1A900] =	vst v63  }
0x7d: {  	s0 =	rddreg [dreg:$0x1d]  }
0x7e: {  	s8 =	rddreg [dreg:$0x1e]  }
0x7f: {  	[tilespmem:s10], [sflag:$0x1] =	stream.indirect.gather [hbm4b:s3+s6], $0x10, s9, s6, $0xb8;
	[tilespmem:$0x1A900] =	vst v63  }
0x80: {  	s9 =	rddreg [dreg:$0x1f]  }
0x81: {  	s10 =	sld [smem:$0x7D0]  }
0x82: {  	[tilespmem:s8], [sflag:$0x1] =	stream.indirect.gather [hbm4b:s3+s6], $0x10, s0, s6, $0xb8;
	[tilespmem:$0x1A900] =	vst v63  }
0x83: {  	s0 =	sld [smem:$0x7D1]  }
0x84: {  	s8 =	sld [smem:$0x7D2]  }
0x85: {  	[tilespmem:s10], [sflag:$0x1] =	stream.indirect.gather [hbm4b:s3+s6], $0x10, s9, s6, $0xb8;
	[tilespmem:$0x1A900] =	vst v63  }
0x86: {  	s9 =	sld [smem:$0x7D3]  }
0x87: {  	s10 =	sld [smem:$0x7D4]  }
0x88: {  	[tilespmem:s8], [sflag:$0x1] =	stream.indirect.gather [hbm4b:s3+s6], $0x10, s0, s6, $0xb8;
	[tilespmem:$0x1A900] =	vst v63  }
0x89: {  	s0 =	sld [smem:$0x7D5]  }
0x8a: {  	s8 =	sld [smem:$0x7D6]  }
0x8b: {  	[tilespmem:s10], [sflag:$0x1] =	stream.indirect.gather [hbm4b:s3+s6], $0x10, s9, s6, $0xb8;
	[tilespmem:$0x1A900] =	vst v63  }
0x8c: {  	s9 =	sld [smem:$0x7D7]  }
0x8d: {  	s10 =	sld [smem:$0x7D8]  }
0x8e: {  	[tilespmem:s8], [sflag:$0x1] =	stream.indirect.gather [hbm4b:s3+s6], $0x10, s0, s6, $0xb8;
	[tilespmem:$0x1A900] =	vst v63  }
0x8f: {  	s0 =	sld [smem:$0x7D9]  }
0x90: {  	s8 =	sld [smem:$0x7DA]  }
0x91: {  	[tilespmem:s10], [sflag:$0x1] =	stream.indirect.gather [hbm4b:s3+s6], $0x10, s9, s6, $0xb8;
	[tilespmem:$0x1A900] =	vst v63  }
0x92: {  	s9 =	sld [smem:$0x7DB]  }
0x93: {  	s10 =	sld [smem:$0x7DC]  }
0x94: {  	[tilespmem:s8], [sflag:$0x1] =	stream.indirect.gather [hbm4b:s3+s6], $0x10, s0, s6, $0xb8;
	[tilespmem:$0x1A900] =	vst v63  }
0x95: {  	s0 =	sld [smem:$0x7DD]  }
0x96: {  	s8 =	sld [smem:$0x7DE]  }
0x97: {  	[tilespmem:s10], [sflag:$0x1] =	stream.indirect.gather [hbm4b:s3+s6], $0x10, s9, s6, $0xb8;
	[tilespmem:$0x1A900] =	vst v63  }
0x98: {  	s9 =	sld [smem:$0x7DF]  }
0x99: {  	s10 =	sld [smem:$0x7E0]  }
0x9a: {  	[tilespmem:s8], [sflag:$0x1] =	stream.indirect.gather [hbm4b:s3+s6], $0x10, s0, s6, $0xb8;
	[tilespmem:$0x1A900] =	vst v63  }
0x9b: {  	s0 =	sld [smem:$0x7E1]  }
0x9c: {  	s8 =	sld [smem:$0x7E2]  }
0x9d: {  	[tilespmem:s10], [sflag:$0x1] =	stream.indirect.gather [hbm4b:s3+s6], $0x10, s9, s6, $0xb8;
	[tilespmem:$0x1A900] =	vst v63  }
0x9e: {  	s9 =	sld [smem:$0x7E3]  }
0x9f: {  	s10 =	sld [smem:$0x7E4]  }
0xa0: {  	[tilespmem:s8], [sflag:$0x1] =	stream.indirect.gather [hbm4b:s3+s6], $0x10, s0, s6, $0xb8;
	[tilespmem:$0x1A900] =	vst v63  }
0xa1: {  	s0 =	sld [smem:$0x7E5]  }
0xa2: {  	s8 =	sld [smem:$0x7E6]  }
0xa3: {  	[tilespmem:s10], [sflag:$0x1] =	stream.indirect.gather [hbm4b:s3+s6], $0x10, s9, s6, $0xb8;
	[tilespmem:$0x1A900] =	vst v63  }
0xa4: {  	s9 =	sld [smem:$0x7E7]  }
0xa5: {  	s10 =	sld [smem:$0x7E8]  }
0xa6: {  	[tilespmem:s8], [sflag:$0x1] =	stream.indirect.gather [hbm4b:s3+s6], $0x10, s0, s6, $0xb8;
	[tilespmem:$0x1A900] =	vst v63  }
0xa7: {  	s0 =	sld [smem:$0x7E9]  }
0xa8: {  	s8 =	sld [smem:$0x7EA]  }
0xa9: {  	[tilespmem:s10], [sflag:$0x1] =	stream.indirect.gather [hbm4b:s3+s6], $0x10, s9, s6, $0xb8;
	[tilespmem:$0x1A900] =	vst v63  }
0xaa: {  	s9 =	sld [smem:$0x7EB]  }
0xab: {  	s10 =	sld [smem:$0x7EC]  }
0xac: {  	[tilespmem:s8], [sflag:$0x1] =	stream.indirect.gather [hbm4b:s3+s6], $0x10, s0, s6, $0xb8;
	[tilespmem:$0x1A900] =	vst v63  }
0xad: {  	s0 =	sld [smem:$0x7ED]  }
0xae: {  	s8 =	sld [smem:$0x7EE]  }
0xaf: {  	[tilespmem:s10], [sflag:$0x1] =	stream.indirect.gather [hbm4b:s3+s6], $0x10, s9, s6, $0xb8;
	[tilespmem:$0x1A900] =	vst v63  }
0xb0: {  	s9 =	sld [smem:$0x7EF]  }
0xb1: {  	s10 =	sld [smem:$0x7F0]  }
0xb2: {  	[tilespmem:s8], [sflag:$0x1] =	stream.indirect.gather [hbm4b:s3+s6], $0x10, s0, s6, $0xb8;
	[tilespmem:$0x1A900] =	vst v63  }
0xb3: {  	s0 =	sld [smem:$0x7F1]  }
0xb4: {  	s8 =	sld [smem:$0x7F2]  }
0xb5: {  	[tilespmem:s10], [sflag:$0x1] =	stream.indirect.gather [hbm4b:s3+s6], $0x10, s9, s6, $0xb8;
	[tilespmem:$0x1A900] =	vst v63  }
0xb6: {  	s9 =	sld [smem:$0x7F3]  }
0xb7: {  	s10 =	sld [smem:$0x7F4]  }
0xb8: {  	[tilespmem:s8], [sflag:$0x1] =	stream.indirect.gather [hbm4b:s3+s6], $0x10, s0, s6, $0xb8;
	[tilespmem:$0x1A900] =	vst v63  }
0xb9: {  	s0 =	sld [smem:$0x7F5]  }
0xba: {  	s8 =	sld [smem:$0x7F6]  }
0xbb: {  	[tilespmem:s10], [sflag:$0x1] =	stream.indirect.gather [hbm4b:s3+s6], $0x10, s9, s6, $0xb8;
	[tilespmem:$0x1A900] =	vst v63  }
0xbc: {  	s9 =	sld [smem:$0x7F7]  }
0xbd: {  	s10 =	sld [smem:$0x7F8]  }
0xbe: {  	[tilespmem:s8], [sflag:$0x1] =	stream.indirect.gather [hbm4b:s3+s6], $0x10, s0, s6, $0xb8;
	[tilespmem:$0x1A900] =	vst v63  }
0xbf: {  	s0 =	sld [smem:$0x7F9]  }
0xc0: {  	s8 =	sld [smem:$0x7FA]  }
0xc1: {  	[tilespmem:s10], [sflag:$0x1] =	stream.indirect.gather [hbm4b:s3+s6], $0x10, s9, s6, $0xb8;
	[tilespmem:$0x1A900] =	vst v63  }
0xc2: {  	s9 =	sld [smem:$0x7FB]  }
0xc3: {  	s10 =	sld [smem:$0x7FC]  }
0xc4: {  	[tilespmem:s8], [sflag:$0x1] =	stream.indirect.gather [hbm4b:s3+s6], $0x10, s0, s6, $0xb8;
	[tilespmem:$0x1A900] =	vst v63  }
0xc5: {  	s8 =	sld [smem:$0x7FD]  }
0xc6: {  	[tilespmem:s10], [sflag:$0x1] =	stream.indirect.gather [hbm4b:s3+s6], $0x10, s9, s6, $0xb8;
	[tilespmem:$0x1A900] =	vst v63  }
0xc7: {  	s10 =	simm.s32 $0x14900  }
0xc8: {  	[tilespmem:s10], [sflag:$0x1] =	stream.indirect.gather [hbm4b:s3+s6], $0x10, s8, s6, $0xb8;
	[tilespmem:$0x1A900] =	vst v63  }
0xc9: {  	s9 =	simm.s32 $0x15100;
	s8 =	simm.s32 $0x1380  }
0xca: {  	[tilespmem:s9], [sflag:$0x1] =	stream.indirect.gather [hbm4b:s3+s6], $0x10, s8, s6, $0xb8;
	[tilespmem:$0x1A900] =	vst v63  }
0xcb: {  	_ = 	snop  }
0xcc: {  	[tilespmem:s12], [sflag:$0x1] =	stream.indirect.gather [hbm4b:s3+s6], $0x10, s11, s6, $0xb8;
	[tilespmem:$0x1A900] =	vst v63  }
0xcd: {  	_ = 	snop  }
0xce: {  	[tilespmem:s14], [sflag:$0x1] =	stream.indirect.gather [hbm4b:s3+s6], $0x10, s13, s6, $0xb8;
	[tilespmem:$0x1A900] =	vst v63  }
0xcf: {  	_ = 	snop  }
0xd0: {  	[tilespmem:s16], [sflag:$0x1] =	stream.indirect.gather [hbm4b:s3+s6], $0x10, s15, s6, $0xb8;
	[tilespmem:$0x1A900] =	vst v63  }
0xd1: {  	_ = 	snop  }
0xd2: {  	[tilespmem:s18], [sflag:$0x1] =	stream.indirect.gather [hbm4b:s3+s6], $0x10, s17, s6, $0xb8;
	[tilespmem:$0x1A900] =	vst v63  }
0xd3: {  	_ = 	snop  }
0xd4: {  	[tilespmem:s20], [sflag:$0x1] =	stream.indirect.gather [hbm4b:s3+s6], $0x10, s19, s6, $0xb8;
	[tilespmem:$0x1A900] =	vst v63  }
0xd5: {  	_ = 	snop  }
0xd6: {  	[tilespmem:s22], [sflag:$0x1] =	stream.indirect.gather [hbm4b:s3+s6], $0x10, s21, s6, $0xb8;
	[tilespmem:$0x1A900] =	vst v63  }
0xd7: {  	_ = 	snop  }
0xd8: {  	[tilespmem:s24], [sflag:$0x1] =	stream.indirect.gather [hbm4b:s3+s6], $0x10, s23, s6, $0xb8;
	[tilespmem:$0x1A900] =	vst v63  }
0xd9: {  	_ = 	snop  }
0xda: {  	[tilespmem:s26], [sflag:$0x1] =	stream.indirect.gather [hbm4b:s3+s6], $0x10, s25, s6, $0xb8;
	[tilespmem:$0x1A900] =	vst v63  }
0xdb: {  	_ = 	snop  }
0xdc: {  	[tilespmem:s29], [sflag:$0x1] =	stream.indirect.gather [hbm4b:s3+s6], $0x10, s28, s6, $0xb8;
	[tilespmem:$0x1A900] =	vst v63  }
0xdd: {  	_ = 	snop  }
0xde: {  	[tilespmem:s31], [sflag:$0x1] =	stream.indirect.gather [hbm4b:s3+s6], $0x10, s30, s6, $0xb8;
	[tilespmem:$0x1A900] =	vst v63  }
0xdf: {  	_ =	swait.ge [sflag:s1], $0x800  }
0xe0: {  	[sflag:s1] =	ssyncset.done $0x0  }
0xe1: {  	[sflag:s1] =	ssyncadd.s32 $0xFFFFF800  }
0xe2: {  	_ =	swait.ge [sflag:s1], $0x800  }
0xe3: {  	[sflag:s1] =	ssyncset.done $0x0  }
0xe4: {  	[sflag:s1] =	ssyncadd.s32 $0xFFFFF800  }
0xe5: {  	_ =	swait.ge [sflag:s1], $0x800  }
0xe6: {  	[sflag:s1] =	ssyncset.done $0x0  }
0xe7: {  	[sflag:s1] =	ssyncadd.s32 $0xFFFFF800  }
0xe8: {  	_ =	swait.ge [sflag:s1], $0x800  }
0xe9: {  	[sflag:s1] =	ssyncset.done $0x0  }
0xea: {  	[sflag:s1] =	ssyncadd.s32 $0xFFFFF800  }
0xeb: {  	_ =	swait.ge [sflag:s1], $0x800  }
0xec: {  	[sflag:s1] =	ssyncset.done $0x0  }
0xed: {  	[sflag:s1] =	ssyncadd.s32 $0xFFFFF800  }
0xee: {  	_ =	swait.ge [sflag:s1], $0x800  }
0xef: {  	[sflag:s1] =	ssyncset.done $0x0  }
0xf0: {  	[sflag:s1] =	ssyncadd.s32 $0xFFFFF800  }
0xf1: {  	_ =	swait.ge [sflag:s1], $0x800  }
0xf2: {  	[sflag:s1] =	ssyncset.done $0x0  }
0xf3: {  	[sflag:s1] =	ssyncadd.s32 $0xFFFFF800  }
0xf4: {  	_ =	swait.ge [sflag:s1], $0x800  }
0xf5: {  	[sflag:s1] =	ssyncset.done $0x0  }
0xf6: {  	[sflag:s1] =	ssyncadd.s32 $0xFFFFF800  }
0xf7: {  	_ =	swait.ge [sflag:s1], $0x800  }
0xf8: {  	[sflag:s1] =	ssyncset.done $0x0  }
0xf9: {  	[sflag:s1] =	ssyncadd.s32 $0xFFFFF800  }
0xfa: {  	_ =	swait.ge [sflag:s1], $0x800  }
0xfb: {  	[sflag:s1] =	ssyncset.done $0x0  }
0xfc: {  	[sflag:s1] =	ssyncadd.s32 $0xFFFFF800  }
0xfd: {  	_ =	swait.ge [sflag:s1], $0x800  }
0xfe: {  	[sflag:s1] =	ssyncset.done $0x0  }
0xff: {  	[sflag:s1] =	ssyncadd.s32 $0xFFFFF800  }
0x100: {  	_ =	swait.ge [sflag:s1], $0x800  }
0x101: {  	[sflag:s1] =	ssyncset.done $0x0  }
0x102: {  	[sflag:s1] =	ssyncadd.s32 $0xFFFFF800  }
0x103: {  	_ =	swait.ge [sflag:s1], $0x800  }
0x104: {  	[sflag:s1] =	ssyncset.done $0x0  }
0x105: {  	[sflag:s1] =	ssyncadd.s32 $0xFFFFF800  }
0x106: {  	_ =	swait.ge [sflag:s1], $0x800  }
0x107: {  	[sflag:s1] =	ssyncset.done $0x0  }
0x108: {  	[sflag:s1] =	ssyncadd.s32 $0xFFFFF800  }
0x109: {  	_ =	swait.ge [sflag:s1], $0x800  }
0x10a: {  	[sflag:s1] =	ssyncset.done $0x0  }
0x10b: {  	[sflag:s1] =	ssyncadd.s32 $0xFFFFF800  }
0x10c: {  	_ =	swait.ge [sflag:s1], $0x800  }
0x10d: {  	[sflag:s1] =	ssyncset.done $0x0  }
0x10e: {  	[sflag:s1] =	ssyncadd.s32 $0xFFFFF800  }
0x10f: {  	_ =	swait.ge [sflag:s1], $0x800  }
0x110: {  	[sflag:s1] =	ssyncset.done $0x0  }
0x111: {  	[sflag:s1] =	ssyncadd.s32 $0xFFFFF800  }
0x112: {  	_ =	swait.ge [sflag:s1], $0x800  }
0x113: {  	[sflag:s1] =	ssyncset.done $0x0  }
0x114: {  	[sflag:s1] =	ssyncadd.s32 $0xFFFFF800  }
0x115: {  	_ =	swait.ge [sflag:s1], $0x800  }
0x116: {  	[sflag:s1] =	ssyncset.done $0x0  }
0x117: {  	[sflag:s1] =	ssyncadd.s32 $0xFFFFF800  }
0x118: {  	_ =	swait.ge [sflag:s1], $0x800  }
0x119: {  	[sflag:s1] =	ssyncset.done $0x0  }
0x11a: {  	[sflag:s1] =	ssyncadd.s32 $0xFFFFF800  }
0x11b: {  	_ =	swait.ge [sflag:s1], $0x800  }
0x11c: {  	[sflag:s1] =	ssyncset.done $0x0  }
0x11d: {  	[sflag:s1] =	ssyncadd.s32 $0xFFFFF800  }
0x11e: {  	_ =	swait.ge [sflag:s1], $0x800  }
0x11f: {  	[sflag:s1] =	ssyncset.done $0x0  }
0x120: {  	[sflag:s1] =	ssyncadd.s32 $0xFFFFF800  }
0x121: {  	_ =	swait.ge [sflag:s1], $0x800  }
0x122: {  	[sflag:s1] =	ssyncset.done $0x0  }
0x123: {  	[sflag:s1] =	ssyncadd.s32 $0xFFFFF800  }
0x124: {  	_ =	swait.ge [sflag:s1], $0x800  }
0x125: {  	[sflag:s1] =	ssyncset.done $0x0  }
0x126: {  	[sflag:s1] =	ssyncadd.s32 $0xFFFFF800  }
0x127: {  	_ =	swait.ge [sflag:s1], $0x800  }
0x128: {  	[sflag:s1] =	ssyncset.done $0x0  }
0x129: {  	[sflag:s1] =	ssyncadd.s32 $0xFFFFF800  }
0x12a: {  	_ =	swait.ge [sflag:s1], $0x800  }
0x12b: {  	[sflag:s1] =	ssyncset.done $0x0  }
0x12c: {  	[sflag:s1] =	ssyncadd.s32 $0xFFFFF800  }
0x12d: {  	_ =	swait.ge [sflag:s1], $0x800  }
0x12e: {  	[sflag:s1] =	ssyncset.done $0x0  }
0x12f: {  	[sflag:s1] =	ssyncadd.s32 $0xFFFFF800  }
0x130: {  	_ =	swait.ge [sflag:s1], $0x800  }
0x131: {  	[sflag:s1] =	ssyncset.done $0x0  }
0x132: {  	[sflag:s1] =	ssyncadd.s32 $0xFFFFF800  }
0x133: {  	_ =	swait.ge [sflag:s1], $0x800  }
0x134: {  	[sflag:s1] =	ssyncset.done $0x0  }
0x135: {  	[sflag:s1] =	ssyncadd.s32 $0xFFFFF800  }
0x136: {  	_ =	swait.ge [sflag:s1], $0x800  }
0x137: {  	[sflag:s1] =	ssyncset.done $0x0  }
0x138: {  	[sflag:s1] =	ssyncadd.s32 $0xFFFFF800  }
0x139: {  	_ =	swait.ge [sflag:s1], $0x800  }
0x13a: {  	[sflag:s1] =	ssyncset.done $0x0  }
0x13b: {  	[sflag:s1] =	ssyncadd.s32 $0xFFFFF800  }
0x13c: {  	_ =	swait.ge [sflag:s1], $0x800  }
0x13d: {  	[sflag:s1] =	ssyncset.done $0x0  }
0x13e: {  	[sflag:s1] =	ssyncadd.s32 $0xFFFFF800  }
0x13f: {  	_ =	swait.ge [sflag:s1], $0x800  }
0x140: {  	[sflag:s1] =	ssyncset.done $0x0  }
0x141: {  	[sflag:s1] =	ssyncadd.s32 $0xFFFFF800  }
0x142: {  	_ =	swait.ge [sflag:s1], $0x800  }
0x143: {  	[sflag:s1] =	ssyncset.done $0x0  }
0x144: {  	[sflag:s1] =	ssyncadd.s32 $0xFFFFF800  }
0x145: {  	_ =	swait.ge [sflag:s1], $0x800  }
0x146: {  	[sflag:s1] =	ssyncset.done $0x0  }
0x147: {  	[sflag:s1] =	ssyncadd.s32 $0xFFFFF800  }
0x148: {  	_ =	swait.ge [sflag:s1], $0x800  }
0x149: {  	[sflag:s1] =	ssyncset.done $0x0  }
0x14a: {  	[sflag:s1] =	ssyncadd.s32 $0xFFFFF800  }
0x14b: {  	_ =	swait.ge [sflag:s1], $0x800  }
0x14c: {  	[sflag:s1] =	ssyncset.done $0x0  }
0x14d: {  	[sflag:s1] =	ssyncadd.s32 $0xFFFFF800  }
0x14e: {  	_ =	swait.ge [sflag:s1], $0x800  }
0x14f: {  	[sflag:s1] =	ssyncset.done $0x0  }
0x150: {  	[sflag:s1] =	ssyncadd.s32 $0xFFFFF800  }
0x151: {  	_ =	swait.ge [sflag:s1], $0x800  }
0x152: {  	[sflag:s1] =	ssyncset.done $0x0  }
0x153: {  	[sflag:s1] =	ssyncadd.s32 $0xFFFFF800  }
0x154: {  	_ =	swait.ge [sflag:s1], $0x800  }
0x155: {  	[sflag:s1] =	ssyncset.done $0x0  }
0x156: {  	[sflag:s1] =	ssyncadd.s32 $0xFFFFF800  }
0x157: {  	_ =	swait.ge [sflag:s1], $0x800  }
0x158: {  	[sflag:s1] =	ssyncset.done $0x0  }
0x159: {  	[sflag:s1] =	ssyncadd.s32 $0xFFFFF800  }
0x15a: {  	_ =	swait.ge [sflag:s1], $0x800  }
0x15b: {  	[sflag:s1] =	ssyncset.done $0x0  }
0x15c: {  	[sflag:s1] =	ssyncadd.s32 $0xFFFFF800  }
0x15d: {  	_ =	swait.ge [sflag:s1], $0x800  }
0x15e: {  	[sflag:s1] =	ssyncset.done $0x0  }
0x15f: {  	[sflag:s1] =	ssyncadd.s32 $0xFFFFF800  }
0x160: {  	_ =	swait.ge [sflag:s1], $0x800  }
0x161: {  	[sflag:s1] =	ssyncset.done $0x0  }
0x162: {  	[sflag:s1] =	ssyncadd.s32 $0xFFFFF800  }
0x163: {  	_ =	swait.ge [sflag:s1], $0x800  }
0x164: {  	[sflag:s1] =	ssyncset.done $0x0  }
0x165: {  	[sflag:s1] =	ssyncadd.s32 $0xFFFFF800  }
0x166: {  	_ =	swait.ge [sflag:s1], $0x800  }
0x167: {  	[sflag:s1] =	ssyncset.done $0x0  }
0x168: {  	[sflag:s1] =	ssyncadd.s32 $0xFFFFF800  }
0x169: {  	_ =	swait.ge [sflag:s1], $0x800  }
0x16a: {  	[sflag:s1] =	ssyncset.done $0x0  }
0x16b: {  	[sflag:s1] =	ssyncadd.s32 $0xFFFFF800  }
0x16c: {  	_ =	swait.ge [sflag:s1], $0x800  }
0x16d: {  	[sflag:s1] =	ssyncset.done $0x0  }
0x16e: {  	[sflag:s1] =	ssyncadd.s32 $0xFFFFF800  }
0x16f: {  	_ =	swait.ge [sflag:s1], $0x800  }
0x170: {  	[sflag:s1] =	ssyncset.done $0x0  }
0x171: {  	[sflag:s1] =	ssyncadd.s32 $0xFFFFF800  }
0x172: {  	_ =	swait.ge [sflag:s1], $0x800  }
0x173: {  	p0 =	sne.s32 s4, $0x1;
	[sflag:s1] =	ssyncset.done $0x0  }
.Ltmp0:
0x174: {  	s10 =	rddreg [dreg:$0x3];
	[sflag:s1] =	ssyncadd.s32 $0xFFFFF800;
	(pc) =	sbr.rel @p0 .LBB2_1-.Ltmp0, $4  }
0x175: {  	[hbm4b:s10+s2] =	stream.linear.scatter [tilespmem:s7], [sflag:$0x2], $0x19000, $0x38;
	[tilespmem:$0x1A900] =	vst v63  }
0x176: {  	_ =	swait.ge [sflag:s5], $0x19000  }
0x177: {  	[sflag:s5] =	ssyncset.done $0x0  }
0x178: {  	s4 =	sadd.s32 $0xFFFFFFFF, s4;
	[sflag:s5] =	ssyncadd.s32 $0xFFFE7000  }
0x179: {  	_ =	sfence.sel $0x180000  }
0x17a: {  	[bflag:$0x0] =	sbarrier.arrive $0xFFFF  }
0x17b: {  	_ =	strace $0x90000047  }
0x17c: {  	s0 =	stileid.u32;
	[bflag:$0x2] =	sbarrier.arrive $0xFFFF  }
0x17d: {  	p0 =	sne.s32 s0, $0x0;
	s0 =	rddreg [dreg:$0x1]  }
0x17e: {  	s0 =	sadd.s32 @!p0 $0x100000, s0  }
0x17f: {  	[sflag:s0] =	ssyncadd.tile.s32 @!p0 $0x1;
	_ =	shalt  }
.Lfunc_end2:
_tile_overlayer_lowered:
.L_overlay_start_2:
0x180: {  	(tag) =	ssettag $0x2  }
0x181: {  	s0 =	rddreg [dreg:$0x0];
	s2 =	stileid.u32  }
0x182: {  	s1 =	rddreg [dreg:$0x1];
	p0 =	sne.s32 s2, $0x0  }
0x183: {  	s3 =	rddreg [dreg:$0x2];
	[bflag:$0x3] =	sbarrier.arrive $0xFFFF;
	s2 =	simm.s32 @!p0 $0x1C02  }
0x184: {  	[timem:s3], [sflag:s2] =	dma.local @!p0 [hbm:s0], s1  }
0x185: {  	s0 =	simm.s32 @!p0 $0x2  }
0x186: {  	_ =	swait.ge @!p0 [sflag:s0], s1  }
0x187: {  	s1 =	ssub.s32 @!p0 $0x0, s1;
	[sflag:s0] =	ssyncset.done @!p0 $0x0  }
0x188: {  	[sflag:s0] =	ssyncadd.s32 @!p0 s1  }
0x189: {  	[bflag:$0x3] =	sbarrier.arrive $0xFFFF  }
0x18a: {  	_ =	shalt  }

</sc_bundles>
